<compile_context>
chip_gen: v7x
topology: tpu7x:2x2x1
jax: 0.10.2.dev20260603
libtpu: 0.0.44.dev20260713+nightly
codegen_flags: <defaults>
</compile_context>

<pallas_src>
import functools

import jax
import jax.numpy as jnp
from jax import lax
from jax.experimental import pallas as pl
from jax.experimental.pallas import tpu as pltpu
from jax.experimental.pallas import tpu_sc as plsc

_B, _T, _D, _NBINS, _MAXD = 16, 512, 256, 256, 1024
_HI = jax.lax.Precision.HIGHEST
_DEF = jax.lax.Precision.DEFAULT


def _conv3(xb, wk0, wk1, wk2, bias):
    z = jnp.zeros((1, xb.shape[1]), jnp.float32)
    xm1 = jnp.concatenate([z, xb[:-1]], axis=0)
    xp1 = jnp.concatenate([xb[1:], z], axis=0)
    acc = jnp.dot(xm1, wk0, precision=_DEF)
    acc = acc + jnp.dot(xb, wk1, precision=_DEF)
    acc = acc + jnp.dot(xp1, wk2, precision=_DEF)
    return acc + bias


def _ln(h, g, b):
    mu = jnp.mean(h, axis=-1, keepdims=True)
    var = jnp.mean((h - mu) ** 2, axis=-1, keepdims=True)
    return (h - mu) / jnp.sqrt(var + 1e-5) * g + b


def _pred_chain(xb, W):
    (w10, w11, w12, b1, g1, bb1, w20, w21, w22, b2, g2, bb2, lw, lb) = W
    h = jnp.maximum(_conv3(xb, w10, w11, w12, b1), 0.0)
    h = _ln(h, g1, bb1)
    h = jnp.maximum(_conv3(h, w20, w21, w22, b2), 0.0)
    h = _ln(h, g2, bb2)
    return jnp.dot(h, lw, precision=_DEF) + lb


def _load_w(refs):
    return tuple(r[...] for r in refs)


def _tc1_body(x_ref, m_ref, md_ref,
              w10, w11, w12, b1, g1, bb1, w20, w21, w22, b2, g2, bb2, lw, lb,
              ld_ref, dv_ref, idx_ref, mlen_ref):
    b = pl.program_id(0)
    xb = x_ref[0]
    W = _load_w((w10, w11, w12, b1, g1, bb1, w20, w21, w22, b2, g2, bb2, lw, lb))
    ld = _pred_chain(xb, W)
    ld = jnp.where(m_ref[0] != 0, 0.0, ld)
    ld_ref[0] = ld
    dv = jnp.clip(jnp.round(jnp.exp(ld) - 1.0), 0.0, None)
    dv_ref[0] = dv
    ii = lax.broadcasted_iota(jnp.int32, (_T, _T), 0)
    jj = lax.broadcasted_iota(jnp.int32, (_T, _T), 1)
    tril = (jj <= ii).astype(jnp.float32)
    csum = jnp.dot(tril, dv, precision=_HI)
    mlen = jnp.minimum(csum[_T - 1:_T, :], md_ref[...])
    mlen_ref[0] = mlen
    pos = lax.broadcasted_iota(jnp.int32, (1, _MAXD), 1).astype(jnp.float32)
    cnt = jnp.sum((csum <= pos).astype(jnp.float32), axis=0, keepdims=True)
    valid = pos < mlen
    idx_ref[0] = jnp.where(valid, cnt, 0.0).astype(jnp.int32) + b * _T


def _run_tc1(x, maskf, md, W):
    wspec = [pl.BlockSpec(w.shape, lambda b: (0,) * w.ndim) for w in W]
    return pl.pallas_call(
        _tc1_body,
        grid=(_B,),
        in_specs=[pl.BlockSpec((1, _T, _D), lambda b: (b, 0, 0)),
                  pl.BlockSpec((1, _T, 1), lambda b: (b, 0, 0)),
                  pl.BlockSpec((1, 1), lambda b: (0, 0))] + wspec,
        out_specs=[pl.BlockSpec((1, _T, 1), lambda b: (b, 0, 0)),
                   pl.BlockSpec((1, _T, 1), lambda b: (b, 0, 0)),
                   pl.BlockSpec((1, 1, _MAXD), lambda b: (b, 0, 0)),
                   pl.BlockSpec((1, 1, 1), lambda b: (b, 0, 0))],
        out_shape=[jax.ShapeDtypeStruct((_B, _T, 1), jnp.float32),
                   jax.ShapeDtypeStruct((_B, _T, 1), jnp.float32),
                   jax.ShapeDtypeStruct((_B, 1, _MAXD), jnp.int32),
                   jax.ShapeDtypeStruct((_B, 1, 1), jnp.float32)],
    )(x, maskf, md, *W)


def _tc2_body(xr_ref, mlen_ref,
              pw10, pw11, pw12, pb1, pg1, pbb1, pw20, pw21, pw22, pb2, pg2, pbb2, plw, plb,
              ew10, ew11, ew12, eb1, eg1, ebb1, ew20, ew21, ew22, eb2, eg2, ebb2, elw, elb,
              pbins_ref, ebins_ref, ptab_ref, etab_ref,
              xr3_ref, mm_ref, pp_ref, ep_ref, pemb_ref, eemb_ref):
    pos = lax.broadcasted_iota(jnp.int32, (_MAXD, 1), 0).astype(jnp.float32)
    mlen = mlen_ref[0]
    maskc = pos >= mlen
    mm_ref[0] = maskc.astype(jnp.int32)
    xb = jnp.where(maskc, 0.0, xr_ref[0])
    PW = _load_w((pw10, pw11, pw12, pb1, pg1, pbb1, pw20, pw21, pw22, pb2, pg2, pbb2, plw, plb))
    pp = _pred_chain(xb, PW)
    pp = jnp.where(maskc, 0.0, pp)
    pp_ref[0] = pp
    pidx = jnp.sum((pbins_ref[...] < pp).astype(jnp.int32), axis=-1, keepdims=True)
    binid = lax.broadcasted_iota(jnp.int32, (1, _NBINS), 1)
    pemb_ref[0] = jnp.dot((binid == pidx).astype(jnp.float32), ptab_ref[...],
                          precision=_HI)
    xr2 = xb + pp
    EW = _load_w((ew10, ew11, ew12, eb1, eg1, ebb1, ew20, ew21, ew22, eb2, eg2, ebb2, elw, elb))
    ep = _pred_chain(xr2, EW)
    ep = jnp.where(maskc, 0.0, ep)
    ep_ref[0] = ep
    eidx = jnp.sum((ebins_ref[...] < ep).astype(jnp.int32), axis=-1, keepdims=True)
    eemb_ref[0] = jnp.dot((binid == eidx).astype(jnp.float32), etab_ref[...],
                          precision=_HI)
    xr3_ref[0] = xr2 + ep


def _run_tc2(xr, mlen, PW, EW, pbins, ebins, ptab, etab):
    wspec = [pl.BlockSpec(w.shape, lambda b: (0,) * w.ndim) for w in PW + EW]
    return pl.pallas_call(
        _tc2_body,
        grid=(_B,),
        in_specs=[pl.BlockSpec((1, _MAXD, _D), lambda b: (b, 0, 0)),
                  pl.BlockSpec((1, 1, 1), lambda b: (b, 0, 0))] + wspec +
                 [pl.BlockSpec((1, _NBINS), lambda b: (0, 0)),
                  pl.BlockSpec((1, _NBINS), lambda b: (0, 0)),
                  pl.BlockSpec((_NBINS, _D), lambda b: (0, 0)),
                  pl.BlockSpec((_NBINS, _D), lambda b: (0, 0))],
        out_specs=[pl.BlockSpec((1, _MAXD, _D), lambda b: (b, 0, 0)),
                   pl.BlockSpec((1, _MAXD, 1), lambda b: (b, 0, 0)),
                   pl.BlockSpec((1, _MAXD, 1), lambda b: (b, 0, 0)),
                   pl.BlockSpec((1, _MAXD, 1), lambda b: (b, 0, 0)),
                   pl.BlockSpec((1, _MAXD, _D), lambda b: (b, 0, 0)),
                   pl.BlockSpec((1, _MAXD, _D), lambda b: (b, 0, 0))],
        out_shape=[jax.ShapeDtypeStruct((_B, _MAXD, _D), jnp.float32),
                   jax.ShapeDtypeStruct((_B, _MAXD, 1), jnp.int32),
                   jax.ShapeDtypeStruct((_B, _MAXD, 1), jnp.float32),
                   jax.ShapeDtypeStruct((_B, _MAXD, 1), jnp.float32),
                   jax.ShapeDtypeStruct((_B, _MAXD, _D), jnp.float32),
                   jax.ShapeDtypeStruct((_B, _MAXD, _D), jnp.float32)],
    )(xr, mlen, *PW, *EW, pbins, ebins, ptab, etab)


def _sc_gather(table, idx):
    n, d = idx.shape[0], table.shape[1]
    nw = 32
    per_w = n // nw
    ch = 128
    n_ch = per_w // ch
    mesh = plsc.VectorSubcoreMesh(core_axis_name="c", subcore_axis_name="s")

    @functools.partial(
        pl.kernel, mesh=mesh,
        out_type=jax.ShapeDtypeStruct((n, d), jnp.float32),
        scratch_types=[pltpu.VMEM((per_w,), jnp.int32),
                       pltpu.VMEM((ch, d), jnp.float32),
                       pltpu.VMEM((ch, d), jnp.float32),
                       pltpu.SemaphoreType.DMA,
                       pltpu.SemaphoreType.DMA],
    )
    def k(table_hbm, idx_hbm, out_hbm, idx_v, buf0, buf1, sem0, sem1):
        wid = lax.axis_index("s") * 2 + lax.axis_index("c")
        base = wid * per_w
        pltpu.sync_copy(idx_hbm.at[pl.ds(base, per_w)], idx_v)
        bufs, sems = (buf0, buf1), (sem0, sem1)
        handles = [None] * n_ch
        handles[0] = pltpu.async_copy(
            table_hbm.at[idx_v.at[pl.ds(0, ch)]], bufs[0], sems[0])
        for ci in range(n_ch):
            if ci + 1 < n_ch:
                handles[ci + 1] = pltpu.async_copy(
                    table_hbm.at[idx_v.at[pl.ds((ci + 1) * ch, ch)]],
                    bufs[(ci + 1) % 2], sems[(ci + 1) % 2])
            handles[ci].wait()
            pltpu.sync_copy(bufs[ci % 2], out_hbm.at[pl.ds(base + ci * ch, ch)])

    return k(table, idx)


def _wpack(p):
    w1, w2 = p["conv1_w"], p["conv2_w"]
    return (jnp.asarray(w1[:, :, 0].T), jnp.asarray(w1[:, :, 1].T), jnp.asarray(w1[:, :, 2].T),
            p["conv1_b"].reshape(1, _D), p["ln1_g"].reshape(1, _D), p["ln1_b"].reshape(1, _D),
            jnp.asarray(w2[:, :, 0].T), jnp.asarray(w2[:, :, 1].T), jnp.asarray(w2[:, :, 2].T),
            p["conv2_b"].reshape(1, _D), p["ln2_g"].reshape(1, _D), p["ln2_b"].reshape(1, _D),
            p["lin_w"].reshape(_D, 1), p["lin_b"].reshape(1, 1))


def kernel(x, src_mask, max_dur, params):
    maskf = src_mask.astype(jnp.float32).reshape(_B, _T, 1)
    md = jnp.asarray(max_dur, jnp.float32).reshape(1, 1)
    DW = _wpack(params["dur"])
    PW = _wpack(params["pitch"])
    EW = _wpack(params["energy"])
    inf = jnp.full((1,), jnp.inf, jnp.float32)
    pbins = jnp.concatenate([params["pitch_bins"], inf]).reshape(1, _NBINS)
    ebins = jnp.concatenate([params["energy_bins"], inf]).reshape(1, _NBINS)

    ld3, dv3, idxg, mlen = _run_tc1(x, maskf, md, DW)
    xr = _sc_gather(x.reshape(_B * _T, _D), idxg.reshape(-1))
    xr = xr.reshape(_B, _MAXD, _D)
    xr3, mm, pp3, ep3, pitch_emb, energy_emb = _run_tc2(
        xr, mlen, PW, EW, pbins, ebins, params["pitch_emb"], params["energy_emb"])
    return (xr3, mm.reshape(_B, _MAXD).astype(bool),
            ld3.reshape(_B, _T), dv3.reshape(_B, _T),
            pp3.reshape(_B, _MAXD), pitch_emb,
            ep3.reshape(_B, _MAXD), energy_emb)

# --- scband reference (transcript-rebuilt; emitter-appended) ---
"""Pipeline reference for scband-variance-adaptor-41875931136557 (READ-ONLY COPY).

The authoritative reference and input builder live on the scoring server;
editing this copy changes nothing except your own understanding.
"""

import jax, jax.numpy as jnp
import numpy as np

B, T_SRC, D_IN, CCH, K, NBINS, MAX_DUR = 16, 512, 256, 256, 3, 256, 1024

def _predictor_params(key, d_in, c):
    k1, k2, k3 = jax.random.split(key, 3)
    return {"conv1_w": jax.random.normal(k1, (c, d_in, K)) * 0.02,
            "conv1_b": jnp.zeros((c,)),
            "ln1_g": jnp.ones((c,)), "ln1_b": jnp.zeros((c,)),
            "conv2_w": jax.random.normal(k2, (c, c, K)) * 0.02,
            "conv2_b": jnp.zeros((c,)),
            "ln2_g": jnp.ones((c,)), "ln2_b": jnp.zeros((c,)),
            "lin_w": jax.random.normal(k3, (1, c)) * 0.02,
            "lin_b": jnp.zeros((1,))}

def _layer_norm(x, g, b):
    mu = jnp.mean(x, -1, keepdims=True)
    var = jnp.var(x, -1, keepdims=True)
    return (x - mu) / jnp.sqrt(var + 1e-5) * g + b

def _conv1d(x_btc, w, b):
    x = jnp.transpose(x_btc, (0, 2, 1))
    pad = (K - 1) // 2
    y = jax.lax.conv_general_dilated(x, w, (1,), [(pad, pad)], dimension_numbers=("NCH", "OIH", "NCH"))
    return jnp.transpose(y + b[None, :, None], (0, 2, 1))

def _variance_predictor(p, x, mask):
    h = jax.nn.relu(_conv1d(x, p["conv1_w"], p["conv1_b"]))
    h = _layer_norm(h, p["ln1_g"], p["ln1_b"])
    h = jax.nn.relu(_conv1d(h, p["conv2_w"], p["conv2_b"]))
    h = _layer_norm(h, p["ln2_g"], p["ln2_b"])
    out = (h @ p["lin_w"].T + p["lin_b"])[..., 0]
    if mask is not None:
        out = jnp.where(mask, 0.0, out)
    return out

def _length_regulate_indices(dur, t_src, max_dur):
    csum = jnp.cumsum(dur, axis=1)
    mel_lens = jnp.minimum(csum[:, -1], max_dur).astype(jnp.int32)
    pos = jnp.arange(MAX_DUR, dtype=jnp.int32)
    idx = jax.vmap(lambda c: jnp.searchsorted(c, pos, side="right"))(csum)
    idx = jnp.where(pos[None, :] < mel_lens[:, None], idx, 0).astype(jnp.int32)
    return idx, mel_lens

def setup_inputs(seed: int = 0):
    key = jax.random.key(seed)
    kx, k1, k2, k3, k4, k5 = jax.random.split(key, 6)
    params = {"dur": _predictor_params(k1, D_IN, CCH),
              "pitch": _predictor_params(k2, D_IN, CCH),
              "energy": _predictor_params(k3, D_IN, CCH),
              "pitch_bins": jnp.exp(jnp.linspace(jnp.log(80.0), jnp.log(800.0), NBINS - 1)),
              "energy_bins": jnp.exp(jnp.linspace(jnp.log(0.1), jnp.log(10.0), NBINS - 1)),
              "pitch_emb": jax.random.normal(k4, (NBINS, D_IN)) * 0.02,
              "energy_emb": jax.random.normal(k5, (NBINS, D_IN)) * 0.02}
    params["dur"]["lin_b"] = jnp.full((1,), 1.5)
    x = jax.random.normal(kx, (B, T_SRC, D_IN), dtype=jnp.float32)
    src_mask = jnp.zeros((B, T_SRC), dtype=bool)
    return {"x": x, "src_mask": src_mask, "max_dur": MAX_DUR, "params": params}

def reference(x, src_mask, max_dur, params):
    p_control = e_control = d_control = 1.0
    log_dur = _variance_predictor(params["dur"], x, src_mask)
    dur_rounded = jnp.clip(jnp.round((jnp.exp(log_dur) - 1.0) * d_control), 0.0, None)
    idx, mel_lens = _length_regulate_indices(dur_rounded.astype(jnp.int32), x.shape[1], max_dur)
    xr = jnp.take_along_axis(x, idx[:, :, None], axis=1)
    mel_mask = jnp.arange(MAX_DUR)[None, :] >= mel_lens[:, None]
    xr = jnp.where(mel_mask[:, :, None], 0.0, xr)
    pitch_pred = _variance_predictor(params["pitch"], xr, mel_mask) * p_control
    pitch_emb = jnp.take(params["pitch_emb"], jnp.searchsorted(params["pitch_bins"], pitch_pred), axis=0)
    xr = xr + pitch_pred[..., None]
    energy_pred = _variance_predictor(params["energy"], xr, mel_mask) * e_control
    energy_emb = jnp.take(params["energy_emb"], jnp.searchsorted(params["energy_bins"], energy_pred), axis=0)
    xr = xr + energy_pred[..., None]
    return (xr, mel_mask, log_dur, dur_rounded, pitch_pred, pitch_emb, energy_pred, energy_emb)

if __name__ == "__main__":
    import jax
    _d = setup_inputs()
    print(jax.jit(kernel)(*tuple(_d.values())))

</pallas_src>

<mosaic_0001>
#map = affine_map<(d0, d1) -> (0, 0)>
#map1 = affine_map<(d0, d1) -> (0)>
module attributes {stable_mosaic.version = 14 : i64} {
  func.func @k(%arg0: i32, %arg1: i32, %arg2: memref<8192x256xf32, #tpu.memory_space<hbm>>, %arg3: memref<16384xi32, #tpu.memory_space<hbm>>, %arg4: memref<16384x256xf32, #tpu.memory_space<hbm>>, %arg5: memref<512xi32, #tpu.memory_space<vmem>>, %arg6: memref<128x256xf32, #tpu.memory_space<vmem>>, %arg7: memref<128x256xf32, #tpu.memory_space<vmem>>, %arg8: memref<!tpu.dma_semaphore, #tpu.memory_space<semaphore_mem>>, %arg9: memref<!tpu.dma_semaphore, #tpu.memory_space<semaphore_mem>>) attributes {dimension_semantics = [#tpu.dimension_semantics<core_parallel>, #tpu.dimension_semantics<subcore_parallel>], iteration_bounds = array<i64: 2, 16>, scalar_prefetch = 0 : i64, scratch_operands = 5 : i64, tpu.core_type = #tpu.core_type<sc_vector_subcore>, window_params = [{transform_indices = #map}, {transform_indices = #map1}, {transform_indices = #map}]} {
    %mul3A = arith.constant 2 : i32
    %mul3A_0 = arith.muli %arg1, %mul3A : i32
    %add3A = arith.addi %mul3A_0, %arg0 : i32
    %mul3A_1 = arith.constant 512 : i32
    %mul3A_2 = arith.muli %add3A, %mul3A_1 : i32
    "tpu.region"() ({
      %run_scoped3A = tpu.sem_alloc : memref<!tpu.dma_semaphore, #tpu.memory_space<semaphore_mem>>
      %dma_start3A_49 = tpu.memref_slice %arg3[%mul3A_2] : memref<16384xi32, #tpu.memory_space<hbm>> -> memref<512xi32, #tpu.memory_space<hbm>>
      %dma_start3A_50 = tpu.memref_slice %arg3[%mul3A_2] : memref<16384xi32, #tpu.memory_space<hbm>> -> memref<512xi32, #tpu.memory_space<hbm>>
      tpu.enqueue_dma source(%dma_start3A_50 : memref<512xi32, #tpu.memory_space<hbm>>) target(%arg5 : memref<512xi32, #tpu.memory_space<vmem>>) target_semaphore(%run_scoped3A : memref<!tpu.dma_semaphore, #tpu.memory_space<semaphore_mem>>)
      %dma_wait3A_51 = tpu.memref_slice %arg3[%mul3A_2] : memref<16384xi32, #tpu.memory_space<hbm>> -> memref<512xi32, #tpu.memory_space<hbm>>
      %dma_wait3A_52 = tpu.memref_slice %arg3[%mul3A_2] : memref<16384xi32, #tpu.memory_space<hbm>> -> memref<512xi32, #tpu.memory_space<hbm>>
      tpu.wait_dma2 semaphore(%run_scoped3A : memref<!tpu.dma_semaphore, #tpu.memory_space<semaphore_mem>>) src(%dma_wait3A_52 : memref<512xi32, #tpu.memory_space<hbm>>) dst(%arg5 : memref<512xi32, #tpu.memory_space<vmem>>)
      tpu.yield
    }) : () -> ()
    %dma_start3A = arith.constant 0 : i32
    %dma_start3A_3 = tpu.memref_slice %arg5[%dma_start3A] : memref<512xi32, #tpu.memory_space<vmem>> -> memref<128xi32, #tpu.memory_space<vmem>>
    %dma_start3A_4 = arith.constant 0 : i32
    %dma_start3A_5 = arith.constant 0 : i32
    %dma_start3A_6 = tpu.memref_slice %arg2[%dma_start3A_4, %dma_start3A_5] : memref<8192x256xf32, #tpu.memory_space<hbm>> -> memref<8192x256xf32, #tpu.memory_space<hbm>>
    tpu.enqueue_indirect_dma source(%dma_start3A_6 : memref<8192x256xf32, #tpu.memory_space<hbm>>) target(%arg6 : memref<128x256xf32, #tpu.memory_space<vmem>>) offsets(%dma_start3A_3 : memref<128xi32, #tpu.memory_space<vmem>>) semaphore(%arg8 : memref<!tpu.dma_semaphore, #tpu.memory_space<semaphore_mem>>)
    %dma_start3A_7 = arith.constant 128 : i32
    %dma_start3A_8 = tpu.memref_slice %arg5[%dma_start3A_7] : memref<512xi32, #tpu.memory_space<vmem>> -> memref<128xi32, #tpu.memory_space<vmem>>
    %dma_start3A_9 = arith.constant 0 : i32
    %dma_start3A_10 = arith.constant 0 : i32
    %dma_start3A_11 = tpu.memref_slice %arg2[%dma_start3A_9, %dma_start3A_10] : memref<8192x256xf32, #tpu.memory_space<hbm>> -> memref<8192x256xf32, #tpu.memory_space<hbm>>
    tpu.enqueue_indirect_dma source(%dma_start3A_11 : memref<8192x256xf32, #tpu.memory_space<hbm>>) target(%arg7 : memref<128x256xf32, #tpu.memory_space<vmem>>) offsets(%dma_start3A_8 : memref<128xi32, #tpu.memory_space<vmem>>) semaphore(%arg9 : memref<!tpu.dma_semaphore, #tpu.memory_space<semaphore_mem>>)
    %dma_wait3A = arith.constant 0 : i32
    %dma_wait3A_12 = tpu.memref_slice %arg5[%dma_wait3A] : memref<512xi32, #tpu.memory_space<vmem>> -> memref<128xi32, #tpu.memory_space<vmem>>
    %dma_wait3A_13 = arith.constant 0 : i32
    %dma_wait3A_14 = arith.constant 0 : i32
    %dma_wait3A_15 = tpu.memref_slice %arg2[%dma_wait3A_13, %dma_wait3A_14] : memref<8192x256xf32, #tpu.memory_space<hbm>> -> memref<8192x256xf32, #tpu.memory_space<hbm>>
    tpu.wait_indirect_dma semaphore(%arg8 : memref<!tpu.dma_semaphore, #tpu.memory_space<semaphore_mem>>) src(%dma_wait3A_15 : memref<8192x256xf32, #tpu.memory_space<hbm>>) dst(%arg6 : memref<128x256xf32, #tpu.memory_space<vmem>>)
    %add3A_16 = arith.constant 0 : i32
    %add3A_17 = arith.addi %mul3A_2, %add3A_16 : i32
    "tpu.region"() ({
      %run_scoped3A = tpu.sem_alloc : memref<!tpu.dma_semaphore, #tpu.memory_space<semaphore_mem>>
      %dma_start3A_49 = arith.constant 0 : i32
      %dma_start3A_50 = tpu.memref_slice %arg4[%add3A_17, %dma_start3A_49] : memref<16384x256xf32, #tpu.memory_space<hbm>> -> memref<128x256xf32, #tpu.memory_space<hbm>>
      %dma_start3A_51 = arith.constant 0 : i32
      %dma_start3A_52 = tpu.memref_slice %arg4[%add3A_17, %dma_start3A_51] : memref<16384x256xf32, #tpu.memory_space<hbm>> -> memref<128x256xf32, #tpu.memory_space<hbm>>
      tpu.enqueue_dma source(%arg6 : memref<128x256xf32, #tpu.memory_space<vmem>>) target(%dma_start3A_52 : memref<128x256xf32, #tpu.memory_space<hbm>>) target_semaphore(%run_scoped3A : memref<!tpu.dma_semaphore, #tpu.memory_space<semaphore_mem>>)
      %dma_wait3A_53 = arith.constant 0 : i32
      %dma_wait3A_54 = tpu.memref_slice %arg4[%add3A_17, %dma_wait3A_53] : memref<16384x256xf32, #tpu.memory_space<hbm>> -> memref<128x256xf32, #tpu.memory_space<hbm>>
      %dma_wait3A_55 = arith.constant 0 : i32
      %dma_wait3A_56 = tpu.memref_slice %arg4[%add3A_17, %dma_wait3A_55] : memref<16384x256xf32, #tpu.memory_space<hbm>> -> memref<128x256xf32, #tpu.memory_space<hbm>>
      tpu.wait_dma2 semaphore(%run_scoped3A : memref<!tpu.dma_semaphore, #tpu.memory_space<semaphore_mem>>) src(%arg6 : memref<128x256xf32, #tpu.memory_space<vmem>>) dst(%dma_wait3A_56 : memref<128x256xf32, #tpu.memory_space<hbm>>)
      tpu.yield
    }) : () -> ()
    %dma_start3A_18 = arith.constant 256 : i32
    %dma_start3A_19 = tpu.memref_slice %arg5[%dma_start3A_18] : memref<512xi32, #tpu.memory_space<vmem>> -> memref<128xi32, #tpu.memory_space<vmem>>
    %dma_start3A_20 = arith.constant 0 : i32
    %dma_start3A_21 = arith.constant 0 : i32
    %dma_start3A_22 = tpu.memref_slice %arg2[%dma_start3A_20, %dma_start3A_21] : memref<8192x256xf32, #tpu.memory_space<hbm>> -> memref<8192x256xf32, #tpu.memory_space<hbm>>
    tpu.enqueue_indirect_dma source(%dma_start3A_22 : memref<8192x256xf32, #tpu.memory_space<hbm>>) target(%arg6 : memref<128x256xf32, #tpu.memory_space<vmem>>) offsets(%dma_start3A_19 : memref<128xi32, #tpu.memory_space<vmem>>) semaphore(%arg8 : memref<!tpu.dma_semaphore, #tpu.memory_space<semaphore_mem>>)
    %dma_wait3A_23 = arith.constant 128 : i32
    %dma_wait3A_24 = tpu.memref_slice %arg5[%dma_wait3A_23] : memref<512xi32, #tpu.memory_space<vmem>> -> memref<128xi32, #tpu.memory_space<vmem>>
    %dma_wait3A_25 = arith.constant 0 : i32
    %dma_wait3A_26 = arith.constant 0 : i32
    %dma_wait3A_27 = tpu.memref_slice %arg2[%dma_wait3A_25, %dma_wait3A_26] : memref<8192x256xf32, #tpu.memory_space<hbm>> -> memref<8192x256xf32, #tpu.memory_space<hbm>>
    tpu.wait_indirect_dma semaphore(%arg9 : memref<!tpu.dma_semaphore, #tpu.memory_space<semaphore_mem>>) src(%dma_wait3A_27 : memref<8192x256xf32, #tpu.memory_space<hbm>>) dst(%arg7 : memref<128x256xf32, #tpu.memory_space<vmem>>)
    %add3A_28 = arith.constant 128 : i32
    %add3A_29 = arith.addi %mul3A_2, %add3A_28 : i32
    "tpu.region"() ({
      %run_scoped3A = tpu.sem_alloc : memref<!tpu.dma_semaphore, #tpu.memory_space<semaphore_mem>>
      %dma_start3A_49 = arith.constant 0 : i32
      %dma_start3A_50 = tpu.memref_slice %arg4[%add3A_29, %dma_start3A_49] : memref<16384x256xf32, #tpu.memory_space<hbm>> -> memref<128x256xf32, #tpu.memory_space<hbm>>
      %dma_start3A_51 = arith.constant 0 : i32
      %dma_start3A_52 = tpu.memref_slice %arg4[%add3A_29, %dma_start3A_51] : memref<16384x256xf32, #tpu.memory_space<hbm>> -> memref<128x256xf32, #tpu.memory_space<hbm>>
      tpu.enqueue_dma source(%arg7 : memref<128x256xf32, #tpu.memory_space<vmem>>) target(%dma_start3A_52 : memref<128x256xf32, #tpu.memory_space<hbm>>) target_semaphore(%run_scoped3A : memref<!tpu.dma_semaphore, #tpu.memory_space<semaphore_mem>>)
      %dma_wait3A_53 = arith.constant 0 : i32
      %dma_wait3A_54 = tpu.memref_slice %arg4[%add3A_29, %dma_wait3A_53] : memref<16384x256xf32, #tpu.memory_space<hbm>> -> memref<128x256xf32, #tpu.memory_space<hbm>>
      %dma_wait3A_55 = arith.constant 0 : i32
      %dma_wait3A_56 = tpu.memref_slice %arg4[%add3A_29, %dma_wait3A_55] : memref<16384x256xf32, #tpu.memory_space<hbm>> -> memref<128x256xf32, #tpu.memory_space<hbm>>
      tpu.wait_dma2 semaphore(%run_scoped3A : memref<!tpu.dma_semaphore, #tpu.memory_space<semaphore_mem>>) src(%arg7 : memref<128x256xf32, #tpu.memory_space<vmem>>) dst(%dma_wait3A_56 : memref<128x256xf32, #tpu.memory_space<hbm>>)
      tpu.yield
    }) : () -> ()
    %dma_start3A_30 = arith.constant 384 : i32
    %dma_start3A_31 = tpu.memref_slice %arg5[%dma_start3A_30] : memref<512xi32, #tpu.memory_space<vmem>> -> memref<128xi32, #tpu.memory_space<vmem>>
    %dma_start3A_32 = arith.constant 0 : i32
    %dma_start3A_33 = arith.constant 0 : i32
    %dma_start3A_34 = tpu.memref_slice %arg2[%dma_start3A_32, %dma_start3A_33] : memref<8192x256xf32, #tpu.memory_space<hbm>> -> memref<8192x256xf32, #tpu.memory_space<hbm>>
    tpu.enqueue_indirect_dma source(%dma_start3A_34 : memref<8192x256xf32, #tpu.memory_space<hbm>>) target(%arg7 : memref<128x256xf32, #tpu.memory_space<vmem>>) offsets(%dma_start3A_31 : memref<128xi32, #tpu.memory_space<vmem>>) semaphore(%arg9 : memref<!tpu.dma_semaphore, #tpu.memory_space<semaphore_mem>>)
    %dma_wait3A_35 = arith.constant 256 : i32
    %dma_wait3A_36 = tpu.memref_slice %arg5[%dma_wait3A_35] : memref<512xi32, #tpu.memory_space<vmem>> -> memref<128xi32, #tpu.memory_space<vmem>>
    %dma_wait3A_37 = arith.constant 0 : i32
    %dma_wait3A_38 = arith.constant 0 : i32
    %dma_wait3A_39 = tpu.memref_slice %arg2[%dma_wait3A_37, %dma_wait3A_38] : memref<8192x256xf32, #tpu.memory_space<hbm>> -> memref<8192x256xf32, #tpu.memory_space<hbm>>
    tpu.wait_indirect_dma semaphore(%arg8 : memref<!tpu.dma_semaphore, #tpu.memory_space<semaphore_mem>>) src(%dma_wait3A_39 : memref<8192x256xf32, #tpu.memory_space<hbm>>) dst(%arg6 : memref<128x256xf32, #tpu.memory_space<vmem>>)
    %add3A_40 = arith.constant 256 : i32
    %add3A_41 = arith.addi %mul3A_2, %add3A_40 : i32
    "tpu.region"() ({
      %run_scoped3A = tpu.sem_alloc : memref<!tpu.dma_semaphore, #tpu.memory_space<semaphore_mem>>
      %dma_start3A_49 = arith.constant 0 : i32
      %dma_start3A_50 = tpu.memref_slice %arg4[%add3A_41, %dma_start3A_49] : memref<16384x256xf32, #tpu.memory_space<hbm>> -> memref<128x256xf32, #tpu.memory_space<hbm>>
      %dma_start3A_51 = arith.constant 0 : i32
      %dma_start3A_52 = tpu.memref_slice %arg4[%add3A_41, %dma_start3A_51] : memref<16384x256xf32, #tpu.memory_space<hbm>> -> memref<128x256xf32, #tpu.memory_space<hbm>>
      tpu.enqueue_dma source(%arg6 : memref<128x256xf32, #tpu.memory_space<vmem>>) target(%dma_start3A_52 : memref<128x256xf32, #tpu.memory_space<hbm>>) target_semaphore(%run_scoped3A : memref<!tpu.dma_semaphore, #tpu.memory_space<semaphore_mem>>)
      %dma_wait3A_53 = arith.constant 0 : i32
      %dma_wait3A_54 = tpu.memref_slice %arg4[%add3A_41, %dma_wait3A_53] : memref<16384x256xf32, #tpu.memory_space<hbm>> -> memref<128x256xf32, #tpu.memory_space<hbm>>
      %dma_wait3A_55 = arith.constant 0 : i32
      %dma_wait3A_56 = tpu.memref_slice %arg4[%add3A_41, %dma_wait3A_55] : memref<16384x256xf32, #tpu.memory_space<hbm>> -> memref<128x256xf32, #tpu.memory_space<hbm>>
      tpu.wait_dma2 semaphore(%run_scoped3A : memref<!tpu.dma_semaphore, #tpu.memory_space<semaphore_mem>>) src(%arg6 : memref<128x256xf32, #tpu.memory_space<vmem>>) dst(%dma_wait3A_56 : memref<128x256xf32, #tpu.memory_space<hbm>>)
      tpu.yield
    }) : () -> ()
    %dma_wait3A_42 = arith.constant 384 : i32
    %dma_wait3A_43 = tpu.memref_slice %arg5[%dma_wait3A_42] : memref<512xi32, #tpu.memory_space<vmem>> -> memref<128xi32, #tpu.memory_space<vmem>>
    %dma_wait3A_44 = arith.constant 0 : i32
    %dma_wait3A_45 = arith.constant 0 : i32
    %dma_wait3A_46 = tpu.memref_slice %arg2[%dma_wait3A_44, %dma_wait3A_45] : memref<8192x256xf32, #tpu.memory_space<hbm>> -> memref<8192x256xf32, #tpu.memory_space<hbm>>
    tpu.wait_indirect_dma semaphore(%arg9 : memref<!tpu.dma_semaphore, #tpu.memory_space<semaphore_mem>>) src(%dma_wait3A_46 : memref<8192x256xf32, #tpu.memory_space<hbm>>) dst(%arg7 : memref<128x256xf32, #tpu.memory_space<vmem>>)
    %add3A_47 = arith.constant 384 : i32
    %add3A_48 = arith.addi %mul3A_2, %add3A_47 : i32
    "tpu.region"() ({
      %run_scoped3A = tpu.sem_alloc : memref<!tpu.dma_semaphore, #tpu.memory_space<semaphore_mem>>
      %dma_start3A_49 = arith.constant 0 : i32
      %dma_start3A_50 = tpu.memref_slice %arg4[%add3A_48, %dma_start3A_49] : memref<16384x256xf32, #tpu.memory_space<hbm>> -> memref<128x256xf32, #tpu.memory_space<hbm>>
      %dma_start3A_51 = arith.constant 0 : i32
      %dma_start3A_52 = tpu.memref_slice %arg4[%add3A_48, %dma_start3A_51] : memref<16384x256xf32, #tpu.memory_space<hbm>> -> memref<128x256xf32, #tpu.memory_space<hbm>>
      tpu.enqueue_dma source(%arg7 : memref<128x256xf32, #tpu.memory_space<vmem>>) target(%dma_start3A_52 : memref<128x256xf32, #tpu.memory_space<hbm>>) target_semaphore(%run_scoped3A : memref<!tpu.dma_semaphore, #tpu.memory_space<semaphore_mem>>)
      %dma_wait3A_53 = arith.constant 0 : i32
      %dma_wait3A_54 = tpu.memref_slice %arg4[%add3A_48, %dma_wait3A_53] : memref<16384x256xf32, #tpu.memory_space<hbm>> -> memref<128x256xf32, #tpu.memory_space<hbm>>
      %dma_wait3A_55 = arith.constant 0 : i32
      %dma_wait3A_56 = tpu.memref_slice %arg4[%add3A_48, %dma_wait3A_55] : memref<16384x256xf32, #tpu.memory_space<hbm>> -> memref<128x256xf32, #tpu.memory_space<hbm>>
      tpu.wait_dma2 semaphore(%run_scoped3A : memref<!tpu.dma_semaphore, #tpu.memory_space<semaphore_mem>>) src(%arg7 : memref<128x256xf32, #tpu.memory_space<vmem>>) dst(%dma_wait3A_56 : memref<128x256xf32, #tpu.memory_space<hbm>>)
      tpu.yield
    }) : () -> ()
    return
  }
}

module attributes {stable_mosaic.version = 14 : i64} {
  func.func @_tc1_body(%arg0: i32, %arg1: memref<1x512x256xf32, #tpu.memory_space<vmem>>, %arg2: memref<1x512x1xf32, #tpu.memory_space<vmem>>, %arg3: memref<1x1xf32, #tpu.memory_space<vmem>>, %arg4: memref<256x256xf32, #tpu.memory_space<vmem>>, %arg5: memref<256x256xf32, #tpu.memory_space<vmem>>, %arg6: memref<256x256xf32, #tpu.memory_space<vmem>>, %arg7: memref<1x256xf32, #tpu.memory_space<vmem>>, %arg8: memref<1x256xf32, #tpu.memory_space<vmem>>, %arg9: memref<1x256xf32, #tpu.memory_space<vmem>>, %arg10: memref<256x256xf32, #tpu.memory_space<vmem>>, %arg11: memref<256x256xf32, #tpu.memory_space<vmem>>, %arg12: memref<256x256xf32, #tpu.memory_space<vmem>>, %arg13: memref<1x256xf32, #tpu.memory_space<vmem>>, %arg14: memref<1x256xf32, #tpu.memory_space<vmem>>, %arg15: memref<1x256xf32, #tpu.memory_space<vmem>>, %arg16: memref<256x1xf32, #tpu.memory_space<vmem>>, %arg17: memref<1x1xf32, #tpu.memory_space<vmem>>, %arg18: memref<1x512x1xf32, #tpu.memory_space<vmem>>, %arg19: memref<1x512x1xf32, #tpu.memory_space<vmem>>, %arg20: memref<1x1x1024xi32, #tpu.memory_space<vmem>>, %arg21: memref<1x1x1xf32, #tpu.memory_space<vmem>>) attributes {dimension_semantics = [#tpu.dimension_semantics<arbitrary>], iteration_bounds = array<i64: 16>, scalar_prefetch = 0 : i64, scratch_operands = 0 : i64, tpu.core_type = #tpu.core_type<tc>, window_params = [{transform_indices = @transform_0, window_bounds = array<i64: 1, 512, 256>}, {transform_indices = @transform_1, window_bounds = array<i64: 1, 512, 1>}, {pipeline_mode = #tpu.pipeline_mode<synchronous>, transform_indices = @transform_2, window_bounds = array<i64: 1, 1>}, {pipeline_mode = #tpu.pipeline_mode<synchronous>, transform_indices = @transform_3, window_bounds = array<i64: 256, 256>}, {pipeline_mode = #tpu.pipeline_mode<synchronous>, transform_indices = @transform_4, window_bounds = array<i64: 256, 256>}, {pipeline_mode = #tpu.pipeline_mode<synchronous>, transform_indices = @transform_5, window_bounds = array<i64: 256, 256>}, {pipeline_mode = #tpu.pipeline_mode<synchronous>, transform_indices = @transform_6, window_bounds = array<i64: 1, 256>}, {pipeline_mode = #tpu.pipeline_mode<synchronous>, transform_indices = @transform_7, window_bounds = array<i64: 1, 256>}, {pipeline_mode = #tpu.pipeline_mode<synchronous>, transform_indices = @transform_8, window_bounds = array<i64: 1, 256>}, {pipeline_mode = #tpu.pipeline_mode<synchronous>, transform_indices = @transform_9, window_bounds = array<i64: 256, 256>}, {pipeline_mode = #tpu.pipeline_mode<synchronous>, transform_indices = @transform_10, window_bounds = array<i64: 256, 256>}, {pipeline_mode = #tpu.pipeline_mode<synchronous>, transform_indices = @transform_11, window_bounds = array<i64: 256, 256>}, {pipeline_mode = #tpu.pipeline_mode<synchronous>, transform_indices = @transform_12, window_bounds = array<i64: 1, 256>}, {pipeline_mode = #tpu.pipeline_mode<synchronous>, transform_indices = @transform_13, window_bounds = array<i64: 1, 256>}, {pipeline_mode = #tpu.pipeline_mode<synchronous>, transform_indices = @transform_14, window_bounds = array<i64: 1, 256>}, {pipeline_mode = #tpu.pipeline_mode<synchronous>, transform_indices = @transform_15, window_bounds = array<i64: 256, 1>}, {pipeline_mode = #tpu.pipeline_mode<synchronous>, transform_indices = @transform_16, window_bounds = array<i64: 1, 1>}, {transform_indices = @transform_17, window_bounds = array<i64: 1, 512, 1>}, {transform_indices = @transform_18, window_bounds = array<i64: 1, 512, 1>}, {transform_indices = @transform_19, window_bounds = array<i64: 1, 1, 1024>}, {transform_indices = @transform_20, window_bounds = array<i64: 1, 1, 1>}]} {
    %get3A = arith.constant 0 : index
    %get3A_0 = arith.constant 0 : index
    %get3A_1 = arith.constant 0 : index
    %get3A_2 = vector.load %arg1[%get3A, %get3A_0, %get3A_1] : memref<1x512x256xf32, #tpu.memory_space<vmem>>, vector<1x512x256xf32>
    %get3A_3 = vector.shape_cast %get3A_2 : vector<1x512x256xf32> to vector<512x256xf32>
    %get3A_4 = arith.constant 0 : index
    %get3A_5 = arith.constant 0 : index
    %get3A_6 = vector.load %arg4[%get3A_4, %get3A_5] : memref<256x256xf32, #tpu.memory_space<vmem>>, vector<256x256xf32>
    %get3A_7 = arith.constant 0 : index
    %get3A_8 = arith.constant 0 : index
    %get3A_9 = vector.load %arg5[%get3A_7, %get3A_8] : memref<256x256xf32, #tpu.memory_space<vmem>>, vector<256x256xf32>
    %get3A_10 = arith.constant 0 : index
    %get3A_11 = arith.constant 0 : index
    %get3A_12 = vector.load %arg6[%get3A_10, %get3A_11] : memref<256x256xf32, #tpu.memory_space<vmem>>, vector<256x256xf32>
    %get3A_13 = arith.constant 0 : index
    %get3A_14 = arith.constant 0 : index
    %get3A_15 = vector.load %arg7[%get3A_13, %get3A_14] : memref<1x256xf32, #tpu.memory_space<vmem>>, vector<1x256xf32>
    %get3A_16 = arith.constant 0 : index
    %get3A_17 = arith.constant 0 : index
    %get3A_18 = vector.load %arg8[%get3A_16, %get3A_17] : memref<1x256xf32, #tpu.memory_space<vmem>>, vector<1x256xf32>
    %get3A_19 = arith.constant 0 : index
    %get3A_20 = arith.constant 0 : index
    %get3A_21 = vector.load %arg9[%get3A_19, %get3A_20] : memref<1x256xf32, #tpu.memory_space<vmem>>, vector<1x256xf32>
    %get3A_22 = arith.constant 0 : index
    %get3A_23 = arith.constant 0 : index
    %get3A_24 = vector.load %arg10[%get3A_22, %get3A_23] : memref<256x256xf32, #tpu.memory_space<vmem>>, vector<256x256xf32>
    %get3A_25 = arith.constant 0 : index
    %get3A_26 = arith.constant 0 : index
    %get3A_27 = vector.load %arg11[%get3A_25, %get3A_26] : memref<256x256xf32, #tpu.memory_space<vmem>>, vector<256x256xf32>
    %get3A_28 = arith.constant 0 : index
    %get3A_29 = arith.constant 0 : index
    %get3A_30 = vector.load %arg12[%get3A_28, %get3A_29] : memref<256x256xf32, #tpu.memory_space<vmem>>, vector<256x256xf32>
    %get3A_31 = arith.constant 0 : index
    %get3A_32 = arith.constant 0 : index
    %get3A_33 = vector.load %arg13[%get3A_31, %get3A_32] : memref<1x256xf32, #tpu.memory_space<vmem>>, vector<1x256xf32>
    %get3A_34 = arith.constant 0 : index
    %get3A_35 = arith.constant 0 : index
    %get3A_36 = vector.load %arg14[%get3A_34, %get3A_35] : memref<1x256xf32, #tpu.memory_space<vmem>>, vector<1x256xf32>
    %get3A_37 = arith.constant 0 : index
    %get3A_38 = arith.constant 0 : index
    %get3A_39 = vector.load %arg15[%get3A_37, %get3A_38] : memref<1x256xf32, #tpu.memory_space<vmem>>, vector<1x256xf32>
    %get3A_40 = arith.constant 0 : index
    %get3A_41 = arith.constant 0 : index
    %get3A_42 = vector.load %arg16[%get3A_40, %get3A_41] : memref<256x1xf32, #tpu.memory_space<vmem>>, vector<256x1xf32>
    %get3A_43 = arith.constant 0 : index
    %get3A_44 = arith.constant 0 : index
    %get3A_45 = vector.load %arg17[%get3A_43, %get3A_44] : memref<1x1xf32, #tpu.memory_space<vmem>>, vector<1x1xf32>
    %get3A_46 = vector.shape_cast %get3A_45 : vector<1x1xf32> to vector<1x1xf32>
    %broadcast_in_dim3A = arith.constant 0.000000e+00 : f32
    %broadcast_in_dim3A_47 = vector.broadcast %broadcast_in_dim3A : f32 to vector<1x256xf32>
    %slice3A = vector.extract_strided_slice %get3A_3 {offsets = [0, 0], sizes = [511, 256], strides = [1, 1]} : vector<512x256xf32> to vector<511x256xf32>
    %concatenate3A = tpu.concatenate %broadcast_in_dim3A_47, %slice3A in 0 : vector<1x256xf32>, vector<511x256xf32> -> vector<512x256xf32>
    %slice3A_48 = vector.extract_strided_slice %get3A_3 {offsets = [1, 0], sizes = [511, 256], strides = [1, 1]} : vector<512x256xf32> to vector<511x256xf32>
    %concatenate3A_49 = tpu.concatenate %slice3A_48, %broadcast_in_dim3A_47 in 0 : vector<511x256xf32>, vector<1x256xf32> -> vector<512x256xf32>
    %dot_general3A = arith.constant dense<0.000000e+00> : vector<512x256xf32>
    %dot_general3A_50 = tpu.matmul %concatenate3A, %get3A_6, %dot_general3A {dimension_numbers = #tpu.dot_dimension_numbers<[1], [0], [0], [1], [0, 0, 1, 1], [], []>, transpose_lhs_hint = false} : vector<512x256xf32>, vector<256x256xf32>, vector<512x256xf32> -> vector<512x256xf32>
    %dot_general3A_51 = arith.constant dense<0.000000e+00> : vector<512x256xf32>
    %dot_general3A_52 = tpu.matmul %get3A_3, %get3A_9, %dot_general3A_51 {dimension_numbers = #tpu.dot_dimension_numbers<[1], [0], [0], [1], [0, 0, 1, 1], [], []>, transpose_lhs_hint = false} : vector<512x256xf32>, vector<256x256xf32>, vector<512x256xf32> -> vector<512x256xf32>
    %add3A = arith.addf %dot_general3A_50, %dot_general3A_52 : vector<512x256xf32>
    %dot_general3A_53 = arith.constant dense<0.000000e+00> : vector<512x256xf32>
    %dot_general3A_54 = tpu.matmul %concatenate3A_49, %get3A_12, %dot_general3A_53 {dimension_numbers = #tpu.dot_dimension_numbers<[1], [0], [0], [1], [0, 0, 1, 1], [], []>, transpose_lhs_hint = false} : vector<512x256xf32>, vector<256x256xf32>, vector<512x256xf32> -> vector<512x256xf32>
    %add3A_55 = arith.addf %add3A, %dot_general3A_54 : vector<512x256xf32>
    %add3A_56 = vector.broadcast %get3A_15 : vector<1x256xf32> to vector<512x256xf32>
    %add3A_57 = arith.addf %add3A_55, %add3A_56 : vector<512x256xf32>
    %max3A = arith.constant 0.000000e+00 : f32
    %max3A_58 = vector.broadcast %max3A : f32 to vector<512x256xf32>
    %max3A_59 = arith.maximumf %add3A_57, %max3A_58 : vector<512x256xf32>
    %reduce_sum3A = arith.constant dense<0.000000e+00> : vector<512xf32>
    %reduce_sum3A_60 = vector.multi_reduction <add>, %max3A_59, %reduce_sum3A [1] : vector<512x256xf32> to vector<512xf32>
    %broadcast_in_dim3A_61 = vector.shape_cast %reduce_sum3A_60 : vector<512xf32> to vector<512x1xf32>
    %div3A = arith.constant 2.560000e+02 : f32
    %div3A_62 = vector.broadcast %div3A : f32 to vector<512x1xf32>
    %div3A_63 = arith.divf %broadcast_in_dim3A_61, %div3A_62 : vector<512x1xf32>
    %sub3A = vector.broadcast %div3A_63 : vector<512x1xf32> to vector<512x256xf32>
    %sub3A_64 = arith.subf %max3A_59, %sub3A : vector<512x256xf32>
    %integer_pow3A = arith.mulf %sub3A_64, %sub3A_64 : vector<512x256xf32>
    %reduce_sum3A_65 = arith.constant dense<0.000000e+00> : vector<512xf32>
    %reduce_sum3A_66 = vector.multi_reduction <add>, %integer_pow3A, %reduce_sum3A_65 [1] : vector<512x256xf32> to vector<512xf32>
    %broadcast_in_dim3A_67 = vector.shape_cast %reduce_sum3A_66 : vector<512xf32> to vector<512x1xf32>
    %div3A_68 = arith.constant 2.560000e+02 : f32
    %div3A_69 = vector.broadcast %div3A_68 : f32 to vector<512x1xf32>
    %div3A_70 = arith.divf %broadcast_in_dim3A_67, %div3A_69 : vector<512x1xf32>
    %sub3A_71 = vector.broadcast %div3A_63 : vector<512x1xf32> to vector<512x256xf32>
    %sub3A_72 = arith.subf %max3A_59, %sub3A_71 : vector<512x256xf32>
    %add3A_73 = arith.constant 9.99999974E-6 : f32
    %add3A_74 = vector.broadcast %add3A_73 : f32 to vector<512x1xf32>
    %add3A_75 = arith.addf %div3A_70, %add3A_74 : vector<512x1xf32>
    %sqrt3A = math.sqrt %add3A_75 : vector<512x1xf32>
    %div3A_76 = vector.broadcast %sqrt3A : vector<512x1xf32> to vector<512x256xf32>
    %div3A_77 = arith.divf %sub3A_72, %div3A_76 : vector<512x256xf32>
    %mul3A = vector.broadcast %get3A_18 : vector<1x256xf32> to vector<512x256xf32>
    %mul3A_78 = arith.mulf %div3A_77, %mul3A : vector<512x256xf32>
    %add3A_79 = vector.broadcast %get3A_21 : vector<1x256xf32> to vector<512x256xf32>
    %add3A_80 = arith.addf %mul3A_78, %add3A_79 : vector<512x256xf32>
    %broadcast_in_dim3A_81 = arith.constant 0.000000e+00 : f32
    %broadcast_in_dim3A_82 = vector.broadcast %broadcast_in_dim3A_81 : f32 to vector<1x256xf32>
    %slice3A_83 = vector.extract_strided_slice %add3A_80 {offsets = [0, 0], sizes = [511, 256], strides = [1, 1]} : vector<512x256xf32> to vector<511x256xf32>
    %concatenate3A_84 = tpu.concatenate %broadcast_in_dim3A_82, %slice3A_83 in 0 : vector<1x256xf32>, vector<511x256xf32> -> vector<512x256xf32>
    %slice3A_85 = vector.extract_strided_slice %add3A_80 {offsets = [1, 0], sizes = [511, 256], strides = [1, 1]} : vector<512x256xf32> to vector<511x256xf32>
    %concatenate3A_86 = tpu.concatenate %slice3A_85, %broadcast_in_dim3A_82 in 0 : vector<511x256xf32>, vector<1x256xf32> -> vector<512x256xf32>
    %dot_general3A_87 = arith.constant dense<0.000000e+00> : vector<512x256xf32>
    %dot_general3A_88 = tpu.matmul %concatenate3A_84, %get3A_24, %dot_general3A_87 {dimension_numbers = #tpu.dot_dimension_numbers<[1], [0], [0], [1], [0, 0, 1, 1], [], []>, transpose_lhs_hint = false} : vector<512x256xf32>, vector<256x256xf32>, vector<512x256xf32> -> vector<512x256xf32>
    %dot_general3A_89 = arith.constant dense<0.000000e+00> : vector<512x256xf32>
    %dot_general3A_90 = tpu.matmul %add3A_80, %get3A_27, %dot_general3A_89 {dimension_numbers = #tpu.dot_dimension_numbers<[1], [0], [0], [1], [0, 0, 1, 1], [], []>, transpose_lhs_hint = false} : vector<512x256xf32>, vector<256x256xf32>, vector<512x256xf32> -> vector<512x256xf32>
    %add3A_91 = arith.addf %dot_general3A_88, %dot_general3A_90 : vector<512x256xf32>
    %dot_general3A_92 = arith.constant dense<0.000000e+00> : vector<512x256xf32>
    %dot_general3A_93 = tpu.matmul %concatenate3A_86, %get3A_30, %dot_general3A_92 {dimension_numbers = #tpu.dot_dimension_numbers<[1], [0], [0], [1], [0, 0, 1, 1], [], []>, transpose_lhs_hint = false} : vector<512x256xf32>, vector<256x256xf32>, vector<512x256xf32> -> vector<512x256xf32>
    %add3A_94 = arith.addf %add3A_91, %dot_general3A_93 : vector<512x256xf32>
    %add3A_95 = vector.broadcast %get3A_33 : vector<1x256xf32> to vector<512x256xf32>
    %add3A_96 = arith.addf %add3A_94, %add3A_95 : vector<512x256xf32>
    %max3A_97 = arith.constant 0.000000e+00 : f32
    %max3A_98 = vector.broadcast %max3A_97 : f32 to vector<512x256xf32>
    %max3A_99 = arith.maximumf %add3A_96, %max3A_98 : vector<512x256xf32>
    %reduce_sum3A_100 = arith.constant dense<0.000000e+00> : vector<512xf32>
    %reduce_sum3A_101 = vector.multi_reduction <add>, %max3A_99, %reduce_sum3A_100 [1] : vector<512x256xf32> to vector<512xf32>
    %broadcast_in_dim3A_102 = vector.shape_cast %reduce_sum3A_101 : vector<512xf32> to vector<512x1xf32>
    %div3A_103 = arith.constant 2.560000e+02 : f32
    %div3A_104 = vector.broadcast %div3A_103 : f32 to vector<512x1xf32>
    %div3A_105 = arith.divf %broadcast_in_dim3A_102, %div3A_104 : vector<512x1xf32>
    %sub3A_106 = vector.broadcast %div3A_105 : vector<512x1xf32> to vector<512x256xf32>
    %sub3A_107 = arith.subf %max3A_99, %sub3A_106 : vector<512x256xf32>
    %integer_pow3A_108 = arith.mulf %sub3A_107, %sub3A_107 : vector<512x256xf32>
    %reduce_sum3A_109 = arith.constant dense<0.000000e+00> : vector<512xf32>
    %reduce_sum3A_110 = vector.multi_reduction <add>, %integer_pow3A_108, %reduce_sum3A_109 [1] : vector<512x256xf32> to vector<512xf32>
    %broadcast_in_dim3A_111 = vector.shape_cast %reduce_sum3A_110 : vector<512xf32> to vector<512x1xf32>
    %div3A_112 = arith.constant 2.560000e+02 : f32
    %div3A_113 = vector.broadcast %div3A_112 : f32 to vector<512x1xf32>
    %div3A_114 = arith.divf %broadcast_in_dim3A_111, %div3A_113 : vector<512x1xf32>
    %sub3A_115 = vector.broadcast %div3A_105 : vector<512x1xf32> to vector<512x256xf32>
    %sub3A_116 = arith.subf %max3A_99, %sub3A_115 : vector<512x256xf32>
    %add3A_117 = arith.constant 9.99999974E-6 : f32
    %add3A_118 = vector.broadcast %add3A_117 : f32 to vector<512x1xf32>
    %add3A_119 = arith.addf %div3A_114, %add3A_118 : vector<512x1xf32>
    %sqrt3A_120 = math.sqrt %add3A_119 : vector<512x1xf32>
    %div3A_121 = vector.broadcast %sqrt3A_120 : vector<512x1xf32> to vector<512x256xf32>
    %div3A_122 = arith.divf %sub3A_116, %div3A_121 : vector<512x256xf32>
    %mul3A_123 = vector.broadcast %get3A_36 : vector<1x256xf32> to vector<512x256xf32>
    %mul3A_124 = arith.mulf %div3A_122, %mul3A_123 : vector<512x256xf32>
    %add3A_125 = vector.broadcast %get3A_39 : vector<1x256xf32> to vector<512x256xf32>
    %add3A_126 = arith.addf %mul3A_124, %add3A_125 : vector<512x256xf32>
    %dot_general3A_127 = arith.constant dense<0.000000e+00> : vector<512x1xf32>
    %dot_general3A_128 = tpu.matmul %add3A_126, %get3A_42, %dot_general3A_127 {dimension_numbers = #tpu.dot_dimension_numbers<[1], [0], [0], [1], [0, 0, 1, 1], [], []>, transpose_lhs_hint = false} : vector<512x256xf32>, vector<256x1xf32>, vector<512x1xf32> -> vector<512x1xf32>
    %add3A_129 = vector.broadcast %get3A_46 : vector<1x1xf32> to vector<512x1xf32>
    %add3A_130 = arith.addf %dot_general3A_128, %add3A_129 : vector<512x1xf32>
    %get3A_131 = arith.constant 0 : index
    %get3A_132 = arith.constant 0 : index
    %get3A_133 = arith.constant 0 : index
    %get3A_134 = vector.load %arg2[%get3A_131, %get3A_132, %get3A_133] : memref<1x512x1xf32, #tpu.memory_space<vmem>>, vector<1x512x1xf32>
    %get3A_135 = vector.shape_cast %get3A_134 : vector<1x512x1xf32> to vector<512x1xf32>
    %ne3A = arith.constant 0.000000e+00 : f32
    %ne3A_136 = vector.broadcast %ne3A : f32 to vector<512x1xf32>
    %ne3A_137 = arith.cmpf one, %get3A_135, %ne3A_136 : vector<512x1xf32>
    %jit3A = arith.constant 0.000000e+00 : f32
    %broadcast_in_dim3A_138 = vector.broadcast %jit3A : f32 to vector<512x1xf32>
    %select_n3A = arith.select %ne3A_137, %broadcast_in_dim3A_138, %add3A_130 : vector<512x1xi1>, vector<512x1xf32>
    %swap3A = arith.constant 0 : index
    %swap3A_139 = arith.constant 0 : index
    %swap3A_140 = arith.constant 0 : index
    %swap3A_141 = vector.load %arg18[%swap3A, %swap3A_139, %swap3A_140] : memref<1x512x1xf32, #tpu.memory_space<vmem>>, vector<1x512x1xf32>
    %swap3A_142 = vector.shape_cast %swap3A_141 : vector<1x512x1xf32> to vector<512x1xf32>
    %swap3A_143 = vector.shape_cast %select_n3A : vector<512x1xf32> to vector<1x512x1xf32>
    tpu.vector_store %arg18[%swap3A, %swap3A_139, %swap3A_140], %swap3A_143 {strides = array<i32>} : memref<1x512x1xf32, #tpu.memory_space<vmem>>, vector<1x512x1xf32>,
    %exp3A = math.exp %select_n3A : vector<512x1xf32>
    %sub3A_144 = arith.constant 1.000000e+00 : f32
    %sub3A_145 = vector.broadcast %sub3A_144 : f32 to vector<512x1xf32>
    %sub3A_146 = arith.subf %exp3A, %sub3A_145 : vector<512x1xf32>
    %round3A = math.roundeven %sub3A_146 : vector<512x1xf32>
    %jit3A_147 = arith.constant 0.000000e+00 : f32
    %max3A_148 = vector.broadcast %jit3A_147 : f32 to vector<512x1xf32>
    %max3A_149 = arith.maximumf %max3A_148, %round3A : vector<512x1xf32>
    %swap3A_150 = arith.constant 0 : index
    %swap3A_151 = arith.constant 0 : index
    %swap3A_152 = arith.constant 0 : index
    %swap3A_153 = vector.load %arg19[%swap3A_150, %swap3A_151, %swap3A_152] : memref<1x512x1xf32, #tpu.memory_space<vmem>>, vector<1x512x1xf32>
    %swap3A_154 = vector.shape_cast %swap3A_153 : vector<1x512x1xf32> to vector<512x1xf32>
    %swap3A_155 = vector.shape_cast %max3A_149 : vector<512x1xf32> to vector<1x512x1xf32>
    tpu.vector_store %arg19[%swap3A_150, %swap3A_151, %swap3A_152], %swap3A_155 {strides = array<i32>} : memref<1x512x1xf32, #tpu.memory_space<vmem>>, vector<1x512x1xf32>,
    %iota3A = tpu.iota {dimensions = array<i32: 0>} : vector<512x512xi32>
    %iota3A_156 = tpu.iota {dimensions = array<i32: 1>} : vector<512x512xi32>
    %le3A = arith.cmpi sle, %iota3A_156, %iota3A : vector<512x512xi32>
    %convert_element_type3A = arith.extui %le3A : vector<512x512xi1> to vector<512x512xi32>
    %convert_element_type3A_157 = arith.sitofp %convert_element_type3A : vector<512x512xi32> to vector<512x512xf32>
    %dot_general3A_158 = arith.constant dense<0.000000e+00> : vector<512x1xf32>
    %dot_general3A_159 = tpu.matmul %convert_element_type3A_157, %max3A_149, %dot_general3A_158 {dimension_numbers = #tpu.dot_dimension_numbers<[1], [0], [0], [1], [0, 0, 1, 1], [], []>, precision = #tpu.contract_precision<fp32>, transpose_lhs_hint = false} : vector<512x512xf32>, vector<512x1xf32>, vector<512x1xf32> -> vector<512x1xf32>
    %slice3A_160 = vector.extract_strided_slice %dot_general3A_159 {offsets = [511, 0], sizes = [1, 1], strides = [1, 1]} : vector<512x1xf32> to vector<1x1xf32>
    %get3A_161 = arith.constant 0 : index
    %get3A_162 = arith.constant 0 : index
    %get3A_163 = vector.load %arg3[%get3A_161, %get3A_162] : memref<1x1xf32, #tpu.memory_space<vmem>>, vector<1x1xf32>
    %min3A = arith.minimumf %slice3A_160, %get3A_163 : vector<1x1xf32>
    %swap3A_164 = arith.constant 0 : index
    %swap3A_165 = arith.constant 0 : index
    %swap3A_166 = arith.constant 0 : index
    %swap3A_167 = vector.load %arg21[%swap3A_164, %swap3A_165, %swap3A_166] : memref<1x1x1xf32, #tpu.memory_space<vmem>>, vector<1x1x1xf32>
    %swap3A_168 = vector.shape_cast %swap3A_167 : vector<1x1x1xf32> to vector<1x1xf32>
    %swap3A_169 = vector.shape_cast %min3A : vector<1x1xf32> to vector<1x1x1xf32>
    tpu.vector_store %arg21[%swap3A_164, %swap3A_165, %swap3A_166], %swap3A_169 {strides = array<i32>} : memref<1x1x1xf32, #tpu.memory_space<vmem>>, vector<1x1x1xf32>,
    %iota3A_170 = tpu.iota {dimensions = array<i32: 1>} : vector<1x1024xi32>
    %convert_element_type3A_171 = arith.sitofp %iota3A_170 : vector<1x1024xi32> to vector<1x1024xf32>
    %le3A_172 = vector.broadcast %dot_general3A_159 : vector<512x1xf32> to vector<512x1024xf32>
    %le3A_173 = vector.broadcast %convert_element_type3A_171 : vector<1x1024xf32> to vector<512x1024xf32>
    %le3A_174 = arith.cmpf ole, %le3A_172, %le3A_173 : vector<512x1024xf32>
    %convert_element_type3A_175 = arith.extui %le3A_174 : vector<512x1024xi1> to vector<512x1024xi32>
    %convert_element_type3A_176 = arith.sitofp %convert_element_type3A_175 : vector<512x1024xi32> to vector<512x1024xf32>
    %reduce_sum3A_177 = arith.constant dense<0.000000e+00> : vector<1024xf32>
    %reduce_sum3A_178 = vector.multi_reduction <add>, %convert_element_type3A_176, %reduce_sum3A_177 [0] : vector<512x1024xf32> to vector<1024xf32>
    %broadcast_in_dim3A_179 = vector.shape_cast %reduce_sum3A_178 : vector<1024xf32> to vector<1x1024xf32>
    %lt3A = vector.broadcast %min3A : vector<1x1xf32> to vector<1x1024xf32>
    %lt3A_180 = arith.cmpf olt, %convert_element_type3A_171, %lt3A : vector<1x1024xf32>
    %jit3A_181 = arith.constant 0.000000e+00 : f32
    %broadcast_in_dim3A_182 = vector.broadcast %jit3A_181 : f32 to vector<1x1024xf32>
    %select_n3A_183 = arith.select %lt3A_180, %broadcast_in_dim3A_179, %broadcast_in_dim3A_182 : vector<1x1024xi1>, vector<1x1024xf32>
    %convert_element_type3A_184 = arith.fptosi %select_n3A_183 : vector<1x1024xf32> to vector<1x1024xi32>
    %mul3A_185 = arith.constant 512 : i32
    %mul3A_186 = arith.muli %arg0, %mul3A_185 : i32
    %add3A_187 = vector.broadcast %mul3A_186 : i32 to vector<1x1024xi32>
    %add3A_188 = arith.addi %convert_element_type3A_184, %add3A_187 : vector<1x1024xi32>
    %swap3A_189 = arith.constant 0 : index
    %swap3A_190 = arith.constant 0 : index
    %swap3A_191 = arith.constant 0 : index
    %swap3A_192 = vector.load %arg20[%swap3A_189, %swap3A_190, %swap3A_191] : memref<1x1x1024xi32, #tpu.memory_space<vmem>>, vector<1x1x1024xi32>
    %swap3A_193 = vector.shape_cast %swap3A_192 : vector<1x1x1024xi32> to vector<1x1024xi32>
    %swap3A_194 = vector.shape_cast %add3A_188 : vector<1x1024xi32> to vector<1x1x1024xi32>
    tpu.vector_store %arg20[%swap3A_189, %swap3A_190, %swap3A_191], %swap3A_194 {strides = array<i32>} : memref<1x1x1024xi32, #tpu.memory_space<vmem>>, vector<1x1x1024xi32>,
    return
  }
  func.func @transform_0(%arg0: i32) -> (i32, i32, i32) {
    %c0_i32 = arith.constant 0 : i32
    %c0_i32_0 = arith.constant 0 : i32
    %c0_i32_1 = arith.constant 0 : i32
    return %arg0, %c0_i32, %c0_i32_0 : i32, i32, i32
  }
  func.func @transform_1(%arg0: i32) -> (i32, i32, i32) {
    %c0_i32 = arith.constant 0 : i32
    %c0_i32_0 = arith.constant 0 : i32
    %c0_i32_1 = arith.constant 0 : i32
    return %arg0, %c0_i32, %c0_i32_0 : i32, i32, i32
  }
  func.func @transform_2(%arg0: i32) -> (i32, i32) {
    %c0_i32 = arith.constant 0 : i32
    %c0_i32_0 = arith.constant 0 : i32
    %c0_i32_1 = arith.constant 0 : i32
    return %c0_i32, %c0_i32_0 : i32, i32
  }
  func.func @transform_3(%arg0: i32) -> (i32, i32) {
    %c0_i32 = arith.constant 0 : i32
    %c0_i32_0 = arith.constant 0 : i32
    %c0_i32_1 = arith.constant 0 : i32
    return %c0_i32, %c0_i32_0 : i32, i32
  }
  func.func @transform_4(%arg0: i32) -> (i32, i32) {
    %c0_i32 = arith.constant 0 : i32
    %c0_i32_0 = arith.constant 0 : i32
    %c0_i32_1 = arith.constant 0 : i32
    return %c0_i32, %c0_i32_0 : i32, i32
  }
  func.func @transform_5(%arg0: i32) -> (i32, i32) {
    %c0_i32 = arith.constant 0 : i32
    %c0_i32_0 = arith.constant 0 : i32
    %c0_i32_1 = arith.constant 0 : i32
    return %c0_i32, %c0_i32_0 : i32, i32
  }
  func.func @transform_6(%arg0: i32) -> (i32, i32) {
    %c0_i32 = arith.constant 0 : i32
    %c0_i32_0 = arith.constant 0 : i32
    %c0_i32_1 = arith.constant 0 : i32
    return %c0_i32, %c0_i32_0 : i32, i32
  }
  func.func @transform_7(%arg0: i32) -> (i32, i32) {
    %c0_i32 = arith.constant 0 : i32
    %c0_i32_0 = arith.constant 0 : i32
    %c0_i32_1 = arith.constant 0 : i32
    return %c0_i32, %c0_i32_0 : i32, i32
  }
  func.func @transform_8(%arg0: i32) -> (i32, i32) {
    %c0_i32 = arith.constant 0 : i32
    %c0_i32_0 = arith.constant 0 : i32
    %c0_i32_1 = arith.constant 0 : i32
    return %c0_i32, %c0_i32_0 : i32, i32
  }
  func.func @transform_9(%arg0: i32) -> (i32, i32) {
    %c0_i32 = arith.constant 0 : i32
    %c0_i32_0 = arith.constant 0 : i32
    %c0_i32_1 = arith.constant 0 : i32
    return %c0_i32, %c0_i32_0 : i32, i32
  }
  func.func @transform_10(%arg0: i32) -> (i32, i32) {
    %c0_i32 = arith.constant 0 : i32
    %c0_i32_0 = arith.constant 0 : i32
    %c0_i32_1 = arith.constant 0 : i32
    return %c0_i32, %c0_i32_0 : i32, i32
  }
  func.func @transform_11(%arg0: i32) -> (i32, i32) {
    %c0_i32 = arith.constant 0 : i32
    %c0_i32_0 = arith.constant 0 : i32
    %c0_i32_1 = arith.constant 0 : i32
    return %c0_i32, %c0_i32_0 : i32, i32
  }
  func.func @transform_12(%arg0: i32) -> (i32, i32) {
    %c0_i32 = arith.constant 0 : i32
    %c0_i32_0 = arith.constant 0 : i32
    %c0_i32_1 = arith.constant 0 : i32
    return %c0_i32, %c0_i32_0 : i32, i32
  }
  func.func @transform_13(%arg0: i32) -> (i32, i32) {
    %c0_i32 = arith.constant 0 : i32
    %c0_i32_0 = arith.constant 0 : i32
    %c0_i32_1 = arith.constant 0 : i32
    return %c0_i32, %c0_i32_0 : i32, i32
  }
  func.func @transform_14(%arg0: i32) -> (i32, i32) {
    %c0_i32 = arith.constant 0 : i32
    %c0_i32_0 = arith.constant 0 : i32
    %c0_i32_1 = arith.constant 0 : i32
    return %c0_i32, %c0_i32_0 : i32, i32
  }
  func.func @transform_15(%arg0: i32) -> (i32, i32) {
    %c0_i32 = arith.constant 0 : i32
    %c0_i32_0 = arith.constant 0 : i32
    %c0_i32_1 = arith.constant 0 : i32
    return %c0_i32, %c0_i32_0 : i32, i32
  }
  func.func @transform_16(%arg0: i32) -> (i32, i32) {
    %c0_i32 = arith.constant 0 : i32
    %c0_i32_0 = arith.constant 0 : i32
    %c0_i32_1 = arith.constant 0 : i32
    return %c0_i32, %c0_i32_0 : i32, i32
  }
  func.func @transform_17(%arg0: i32) -> (i32, i32, i32) {
    %c0_i32 = arith.constant 0 : i32
    %c0_i32_0 = arith.constant 0 : i32
    %c0_i32_1 = arith.constant 0 : i32
    return %arg0, %c0_i32, %c0_i32_0 : i32, i32, i32
  }
  func.func @transform_18(%arg0: i32) -> (i32, i32, i32) {
    %c0_i32 = arith.constant 0 : i32
    %c0_i32_0 = arith.constant 0 : i32
    %c0_i32_1 = arith.constant 0 : i32
    return %arg0, %c0_i32, %c0_i32_0 : i32, i32, i32
  }
  func.func @transform_19(%arg0: i32) -> (i32, i32, i32) {
    %c0_i32 = arith.constant 0 : i32
    %c0_i32_0 = arith.constant 0 : i32
    %c0_i32_1 = arith.constant 0 : i32
    return %arg0, %c0_i32, %c0_i32_0 : i32, i32, i32
  }
  func.func @transform_20(%arg0: i32) -> (i32, i32, i32) {
    %c0_i32 = arith.constant 0 : i32
    %c0_i32_0 = arith.constant 0 : i32
    %c0_i32_1 = arith.constant 0 : i32
    return %arg0, %c0_i32, %c0_i32_0 : i32, i32, i32
  }
}

module attributes {stable_mosaic.version = 14 : i64} {
  func.func @_tc2_body(%arg0: i32, %arg1: memref<1x1024x256xf32, #tpu.memory_space<vmem>>, %arg2: memref<1x1x1xf32, #tpu.memory_space<vmem>>, %arg3: memref<256x256xf32, #tpu.memory_space<vmem>>, %arg4: memref<256x256xf32, #tpu.memory_space<vmem>>, %arg5: memref<256x256xf32, #tpu.memory_space<vmem>>, %arg6: memref<1x256xf32, #tpu.memory_space<vmem>>, %arg7: memref<1x256xf32, #tpu.memory_space<vmem>>, %arg8: memref<1x256xf32, #tpu.memory_space<vmem>>, %arg9: memref<256x256xf32, #tpu.memory_space<vmem>>, %arg10: memref<256x256xf32, #tpu.memory_space<vmem>>, %arg11: memref<256x256xf32, #tpu.memory_space<vmem>>, %arg12: memref<1x256xf32, #tpu.memory_space<vmem>>, %arg13: memref<1x256xf32, #tpu.memory_space<vmem>>, %arg14: memref<1x256xf32, #tpu.memory_space<vmem>>, %arg15: memref<256x1xf32, #tpu.memory_space<vmem>>, %arg16: memref<1x1xf32, #tpu.memory_space<vmem>>, %arg17: memref<256x256xf32, #tpu.memory_space<vmem>>, %arg18: memref<256x256xf32, #tpu.memory_space<vmem>>, %arg19: memref<256x256xf32, #tpu.memory_space<vmem>>, %arg20: memref<1x256xf32, #tpu.memory_space<vmem>>, %arg21: memref<1x256xf32, #tpu.memory_space<vmem>>, %arg22: memref<1x256xf32, #tpu.memory_space<vmem>>, %arg23: memref<256x256xf32, #tpu.memory_space<vmem>>, %arg24: memref<256x256xf32, #tpu.memory_space<vmem>>, %arg25: memref<256x256xf32, #tpu.memory_space<vmem>>, %arg26: memref<1x256xf32, #tpu.memory_space<vmem>>, %arg27: memref<1x256xf32, #tpu.memory_space<vmem>>, %arg28: memref<1x256xf32, #tpu.memory_space<vmem>>, %arg29: memref<256x1xf32, #tpu.memory_space<vmem>>, %arg30: memref<1x1xf32, #tpu.memory_space<vmem>>, %arg31: memref<1x256xf32, #tpu.memory_space<vmem>>, %arg32: memref<1x256xf32, #tpu.memory_space<vmem>>, %arg33: memref<256x256xf32, #tpu.memory_space<vmem>>, %arg34: memref<256x256xf32, #tpu.memory_space<vmem>>, %arg35: memref<1x1024x256xf32, #tpu.memory_space<vmem>>, %arg36: memref<1x1024x1xi32, #tpu.memory_space<vmem>>, %arg37: memref<1x1024x1xf32, #tpu.memory_space<vmem>>, %arg38: memref<1x1024x1xf32, #tpu.memory_space<vmem>>, %arg39: memref<1x1024x256xf32, #tpu.memory_space<vmem>>, %arg40: memref<1x1024x256xf32, #tpu.memory_space<vmem>>) attributes {dimension_semantics = [#tpu.dimension_semantics<arbitrary>], iteration_bounds = array<i64: 16>, scalar_prefetch = 0 : i64, scratch_operands = 0 : i64, tpu.core_type = #tpu.core_type<tc>, window_params = [{transform_indices = @transform_0, window_bounds = array<i64: 1, 1024, 256>}, {transform_indices = @transform_1, window_bounds = array<i64: 1, 1, 1>}, {pipeline_mode = #tpu.pipeline_mode<synchronous>, transform_indices = @transform_2, window_bounds = array<i64: 256, 256>}, {pipeline_mode = #tpu.pipeline_mode<synchronous>, transform_indices = @transform_3, window_bounds = array<i64: 256, 256>}, {pipeline_mode = #tpu.pipeline_mode<synchronous>, transform_indices = @transform_4, window_bounds = array<i64: 256, 256>}, {pipeline_mode = #tpu.pipeline_mode<synchronous>, transform_indices = @transform_5, window_bounds = array<i64: 1, 256>}, {pipeline_mode = #tpu.pipeline_mode<synchronous>, transform_indices = @transform_6, window_bounds = array<i64: 1, 256>}, {pipeline_mode = #tpu.pipeline_mode<synchronous>, transform_indices = @transform_7, window_bounds = array<i64: 1, 256>}, {pipeline_mode = #tpu.pipeline_mode<synchronous>, transform_indices = @transform_8, window_bounds = array<i64: 256, 256>}, {pipeline_mode = #tpu.pipeline_mode<synchronous>, transform_indices = @transform_9, window_bounds = array<i64: 256, 256>}, {pipeline_mode = #tpu.pipeline_mode<synchronous>, transform_indices = @transform_10, window_bounds = array<i64: 256, 256>}, {pipeline_mode = #tpu.pipeline_mode<synchronous>, transform_indices = @transform_11, window_bounds = array<i64: 1, 256>}, {pipeline_mode = #tpu.pipeline_mode<synchronous>, transform_indices = @transform_12, window_bounds = array<i64: 1, 256>}, {pipeline_mode = #tpu.pipeline_mode<synchronous>, transform_indices = @transform_13, window_bounds = array<i64: 1, 256>}, {pipeline_mode = #tpu.pipeline_mode<synchronous>, transform_indices = @transform_14, window_bounds = array<i64: 256, 1>}, {pipeline_mode = #tpu.pipeline_mode<synchronous>, transform_indices = @transform_15, window_bounds = array<i64: 1, 1>}, {pipeline_mode = #tpu.pipeline_mode<synchronous>, transform_indices = @transform_16, window_bounds = array<i64: 256, 256>}, {pipeline_mode = #tpu.pipeline_mode<synchronous>, transform_indices = @transform_17, window_bounds = array<i64: 256, 256>}, {pipeline_mode = #tpu.pipeline_mode<synchronous>, transform_indices = @transform_18, window_bounds = array<i64: 256, 256>}, {pipeline_mode = #tpu.pipeline_mode<synchronous>, transform_indices = @transform_19, window_bounds = array<i64: 1, 256>}, {pipeline_mode = #tpu.pipeline_mode<synchronous>, transform_indices = @transform_20, window_bounds = array<i64: 1, 256>}, {pipeline_mode = #tpu.pipeline_mode<synchronous>, transform_indices = @transform_21, window_bounds = array<i64: 1, 256>}, {pipeline_mode = #tpu.pipeline_mode<synchronous>, transform_indices = @transform_22, window_bounds = array<i64: 256, 256>}, {pipeline_mode = #tpu.pipeline_mode<synchronous>, transform_indices = @transform_23, window_bounds = array<i64: 256, 256>}, {pipeline_mode = #tpu.pipeline_mode<synchronous>, transform_indices = @transform_24, window_bounds = array<i64: 256, 256>}, {pipeline_mode = #tpu.pipeline_mode<synchronous>, transform_indices = @transform_25, window_bounds = array<i64: 1, 256>}, {pipeline_mode = #tpu.pipeline_mode<synchronous>, transform_indices = @transform_26, window_bounds = array<i64: 1, 256>}, {pipeline_mode = #tpu.pipeline_mode<synchronous>, transform_indices = @transform_27, window_bounds = array<i64: 1, 256>}, {pipeline_mode = #tpu.pipeline_mode<synchronous>, transform_indices = @transform_28, window_bounds = array<i64: 256, 1>}, {pipeline_mode = #tpu.pipeline_mode<synchronous>, transform_indices = @transform_29, window_bounds = array<i64: 1, 1>}, {pipeline_mode = #tpu.pipeline_mode<synchronous>, transform_indices = @transform_30, window_bounds = array<i64: 1, 256>}, {pipeline_mode = #tpu.pipeline_mode<synchronous>, transform_indices = @transform_31, window_bounds = array<i64: 1, 256>}, {pipeline_mode = #tpu.pipeline_mode<synchronous>, transform_indices = @transform_32, window_bounds = array<i64: 256, 256>}, {pipeline_mode = #tpu.pipeline_mode<synchronous>, transform_indices = @transform_33, window_bounds = array<i64: 256, 256>}, {transform_indices = @transform_34, window_bounds = array<i64: 1, 1024, 256>}, {transform_indices = @transform_35, window_bounds = array<i64: 1, 1024, 1>}, {transform_indices = @transform_36, window_bounds = array<i64: 1, 1024, 1>}, {transform_indices = @transform_37, window_bounds = array<i64: 1, 1024, 1>}, {transform_indices = @transform_38, window_bounds = array<i64: 1, 1024, 256>}, {transform_indices = @transform_39, window_bounds = array<i64: 1, 1024, 256>}]} {
    %iota3A = tpu.iota {dimensions = array<i32: 0>} : vector<1024x1xi32>
    %convert_element_type3A = arith.sitofp %iota3A : vector<1024x1xi32> to vector<1024x1xf32>
    %get3A = arith.constant 0 : index
    %get3A_0 = arith.constant 0 : index
    %get3A_1 = arith.constant 0 : index
    %get3A_2 = vector.load %arg2[%get3A, %get3A_0, %get3A_1] : memref<1x1x1xf32, #tpu.memory_space<vmem>>, vector<1x1x1xf32>
    %get3A_3 = vector.shape_cast %get3A_2 : vector<1x1x1xf32> to vector<1x1xf32>
    %ge3A = vector.broadcast %get3A_3 : vector<1x1xf32> to vector<1024x1xf32>
    %ge3A_4 = arith.cmpf oge, %convert_element_type3A, %ge3A : vector<1024x1xf32>
    %convert_element_type3A_5 = arith.extui %ge3A_4 : vector<1024x1xi1> to vector<1024x1xi32>
    %swap3A = arith.constant 0 : index
    %swap3A_6 = arith.constant 0 : index
    %swap3A_7 = arith.constant 0 : index
    %swap3A_8 = vector.load %arg36[%swap3A, %swap3A_6, %swap3A_7] : memref<1x1024x1xi32, #tpu.memory_space<vmem>>, vector<1x1024x1xi32>
    %swap3A_9 = vector.shape_cast %swap3A_8 : vector<1x1024x1xi32> to vector<1024x1xi32>
    %swap3A_10 = vector.shape_cast %convert_element_type3A_5 : vector<1024x1xi32> to vector<1x1024x1xi32>
    tpu.vector_store %arg36[%swap3A, %swap3A_6, %swap3A_7], %swap3A_10 {strides = array<i32>} : memref<1x1024x1xi32, #tpu.memory_space<vmem>>, vector<1x1024x1xi32>,
    %get3A_11 = arith.constant 0 : index
    %get3A_12 = arith.constant 0 : index
    %get3A_13 = arith.constant 0 : index
    %get3A_14 = vector.load %arg1[%get3A_11, %get3A_12, %get3A_13] : memref<1x1024x256xf32, #tpu.memory_space<vmem>>, vector<1x1024x256xf32>
    %get3A_15 = vector.shape_cast %get3A_14 : vector<1x1024x256xf32> to vector<1024x256xf32>
    %jit3A = arith.constant 0.000000e+00 : f32
    %broadcast_in_dim3A = vector.shape_cast %ge3A_4 : vector<1024x1xi1> to vector<1024x1xi1>
    %broadcast_in_dim3A_16 = vector.broadcast %broadcast_in_dim3A : vector<1024x1xi1> to vector<1024x256xi1>
    %broadcast_in_dim3A_17 = vector.broadcast %jit3A : f32 to vector<1024x256xf32>
    %select_n3A = arith.select %broadcast_in_dim3A_16, %broadcast_in_dim3A_17, %get3A_15 : vector<1024x256xi1>, vector<1024x256xf32>
    %get3A_18 = arith.constant 0 : index
    %get3A_19 = arith.constant 0 : index
    %get3A_20 = vector.load %arg3[%get3A_18, %get3A_19] : memref<256x256xf32, #tpu.memory_space<vmem>>, vector<256x256xf32>
    %get3A_21 = arith.constant 0 : index
    %get3A_22 = arith.constant 0 : index
    %get3A_23 = vector.load %arg4[%get3A_21, %get3A_22] : memref<256x256xf32, #tpu.memory_space<vmem>>, vector<256x256xf32>
    %get3A_24 = arith.constant 0 : index
    %get3A_25 = arith.constant 0 : index
    %get3A_26 = vector.load %arg5[%get3A_24, %get3A_25] : memref<256x256xf32, #tpu.memory_space<vmem>>, vector<256x256xf32>
    %get3A_27 = arith.constant 0 : index
    %get3A_28 = arith.constant 0 : index
    %get3A_29 = vector.load %arg6[%get3A_27, %get3A_28] : memref<1x256xf32, #tpu.memory_space<vmem>>, vector<1x256xf32>
    %get3A_30 = arith.constant 0 : index
    %get3A_31 = arith.constant 0 : index
    %get3A_32 = vector.load %arg7[%get3A_30, %get3A_31] : memref<1x256xf32, #tpu.memory_space<vmem>>, vector<1x256xf32>
    %get3A_33 = arith.constant 0 : index
    %get3A_34 = arith.constant 0 : index
    %get3A_35 = vector.load %arg8[%get3A_33, %get3A_34] : memref<1x256xf32, #tpu.memory_space<vmem>>, vector<1x256xf32>
    %get3A_36 = arith.constant 0 : index
    %get3A_37 = arith.constant 0 : index
    %get3A_38 = vector.load %arg9[%get3A_36, %get3A_37] : memref<256x256xf32, #tpu.memory_space<vmem>>, vector<256x256xf32>
    %get3A_39 = arith.constant 0 : index
    %get3A_40 = arith.constant 0 : index
    %get3A_41 = vector.load %arg10[%get3A_39, %get3A_40] : memref<256x256xf32, #tpu.memory_space<vmem>>, vector<256x256xf32>
    %get3A_42 = arith.constant 0 : index
    %get3A_43 = arith.constant 0 : index
    %get3A_44 = vector.load %arg11[%get3A_42, %get3A_43] : memref<256x256xf32, #tpu.memory_space<vmem>>, vector<256x256xf32>
    %get3A_45 = arith.constant 0 : index
    %get3A_46 = arith.constant 0 : index
    %get3A_47 = vector.load %arg12[%get3A_45, %get3A_46] : memref<1x256xf32, #tpu.memory_space<vmem>>, vector<1x256xf32>
    %get3A_48 = arith.constant 0 : index
    %get3A_49 = arith.constant 0 : index
    %get3A_50 = vector.load %arg13[%get3A_48, %get3A_49] : memref<1x256xf32, #tpu.memory_space<vmem>>, vector<1x256xf32>
    %get3A_51 = arith.constant 0 : index
    %get3A_52 = arith.constant 0 : index
    %get3A_53 = vector.load %arg14[%get3A_51, %get3A_52] : memref<1x256xf32, #tpu.memory_space<vmem>>, vector<1x256xf32>
    %get3A_54 = arith.constant 0 : index
    %get3A_55 = arith.constant 0 : index
    %get3A_56 = vector.load %arg15[%get3A_54, %get3A_55] : memref<256x1xf32, #tpu.memory_space<vmem>>, vector<256x1xf32>
    %get3A_57 = arith.constant 0 : index
    %get3A_58 = arith.constant 0 : index
    %get3A_59 = vector.load %arg16[%get3A_57, %get3A_58] : memref<1x1xf32, #tpu.memory_space<vmem>>, vector<1x1xf32>
    %broadcast_in_dim3A_60 = arith.constant 0.000000e+00 : f32
    %broadcast_in_dim3A_61 = vector.broadcast %broadcast_in_dim3A_60 : f32 to vector<1x256xf32>
    %slice3A = vector.extract_strided_slice %select_n3A {offsets = [0, 0], sizes = [1023, 256], strides = [1, 1]} : vector<1024x256xf32> to vector<1023x256xf32>
    %concatenate3A = tpu.concatenate %broadcast_in_dim3A_61, %slice3A in 0 : vector<1x256xf32>, vector<1023x256xf32> -> vector<1024x256xf32>
    %slice3A_62 = vector.extract_strided_slice %select_n3A {offsets = [1, 0], sizes = [1023, 256], strides = [1, 1]} : vector<1024x256xf32> to vector<1023x256xf32>
    %concatenate3A_63 = tpu.concatenate %slice3A_62, %broadcast_in_dim3A_61 in 0 : vector<1023x256xf32>, vector<1x256xf32> -> vector<1024x256xf32>
    %dot_general3A = arith.constant dense<0.000000e+00> : vector<1024x256xf32>
    %dot_general3A_64 = tpu.matmul %concatenate3A, %get3A_20, %dot_general3A {dimension_numbers = #tpu.dot_dimension_numbers<[1], [0], [0], [1], [0, 0, 1, 1], [], []>, transpose_lhs_hint = false} : vector<1024x256xf32>, vector<256x256xf32>, vector<1024x256xf32> -> vector<1024x256xf32>
    %dot_general3A_65 = arith.constant dense<0.000000e+00> : vector<1024x256xf32>
    %dot_general3A_66 = tpu.matmul %select_n3A, %get3A_23, %dot_general3A_65 {dimension_numbers = #tpu.dot_dimension_numbers<[1], [0], [0], [1], [0, 0, 1, 1], [], []>, transpose_lhs_hint = false} : vector<1024x256xf32>, vector<256x256xf32>, vector<1024x256xf32> -> vector<1024x256xf32>
    %add3A = arith.addf %dot_general3A_64, %dot_general3A_66 : vector<1024x256xf32>
    %dot_general3A_67 = arith.constant dense<0.000000e+00> : vector<1024x256xf32>
    %dot_general3A_68 = tpu.matmul %concatenate3A_63, %get3A_26, %dot_general3A_67 {dimension_numbers = #tpu.dot_dimension_numbers<[1], [0], [0], [1], [0, 0, 1, 1], [], []>, transpose_lhs_hint = false} : vector<1024x256xf32>, vector<256x256xf32>, vector<1024x256xf32> -> vector<1024x256xf32>
    %add3A_69 = arith.addf %add3A, %dot_general3A_68 : vector<1024x256xf32>
    %add3A_70 = vector.broadcast %get3A_29 : vector<1x256xf32> to vector<1024x256xf32>
    %add3A_71 = arith.addf %add3A_69, %add3A_70 : vector<1024x256xf32>
    %max3A = arith.constant 0.000000e+00 : f32
    %max3A_72 = vector.broadcast %max3A : f32 to vector<1024x256xf32>
    %max3A_73 = arith.maximumf %add3A_71, %max3A_72 : vector<1024x256xf32>
    %reduce_sum3A = arith.constant dense<0.000000e+00> : vector<1024xf32>
    %reduce_sum3A_74 = vector.multi_reduction <add>, %max3A_73, %reduce_sum3A [1] : vector<1024x256xf32> to vector<1024xf32>
    %broadcast_in_dim3A_75 = vector.shape_cast %reduce_sum3A_74 : vector<1024xf32> to vector<1024x1xf32>
    %div3A = arith.constant 2.560000e+02 : f32
    %div3A_76 = vector.broadcast %div3A : f32 to vector<1024x1xf32>
    %div3A_77 = arith.divf %broadcast_in_dim3A_75, %div3A_76 : vector<1024x1xf32>
    %sub3A = vector.broadcast %div3A_77 : vector<1024x1xf32> to vector<1024x256xf32>
    %sub3A_78 = arith.subf %max3A_73, %sub3A : vector<1024x256xf32>
    %integer_pow3A = arith.mulf %sub3A_78, %sub3A_78 : vector<1024x256xf32>
    %reduce_sum3A_79 = arith.constant dense<0.000000e+00> : vector<1024xf32>
    %reduce_sum3A_80 = vector.multi_reduction <add>, %integer_pow3A, %reduce_sum3A_79 [1] : vector<1024x256xf32> to vector<1024xf32>
    %broadcast_in_dim3A_81 = vector.shape_cast %reduce_sum3A_80 : vector<1024xf32> to vector<1024x1xf32>
    %div3A_82 = arith.constant 2.560000e+02 : f32
    %div3A_83 = vector.broadcast %div3A_82 : f32 to vector<1024x1xf32>
    %div3A_84 = arith.divf %broadcast_in_dim3A_81, %div3A_83 : vector<1024x1xf32>
    %sub3A_85 = vector.broadcast %div3A_77 : vector<1024x1xf32> to vector<1024x256xf32>
    %sub3A_86 = arith.subf %max3A_73, %sub3A_85 : vector<1024x256xf32>
    %add3A_87 = arith.constant 9.99999974E-6 : f32
    %add3A_88 = vector.broadcast %add3A_87 : f32 to vector<1024x1xf32>
    %add3A_89 = arith.addf %div3A_84, %add3A_88 : vector<1024x1xf32>
    %sqrt3A = math.sqrt %add3A_89 : vector<1024x1xf32>
    %div3A_90 = vector.broadcast %sqrt3A : vector<1024x1xf32> to vector<1024x256xf32>
    %div3A_91 = arith.divf %sub3A_86, %div3A_90 : vector<1024x256xf32>
    %mul3A = vector.broadcast %get3A_32 : vector<1x256xf32> to vector<1024x256xf32>
    %mul3A_92 = arith.mulf %div3A_91, %mul3A : vector<1024x256xf32>
    %add3A_93 = vector.broadcast %get3A_35 : vector<1x256xf32> to vector<1024x256xf32>
    %add3A_94 = arith.addf %mul3A_92, %add3A_93 : vector<1024x256xf32>
    %broadcast_in_dim3A_95 = arith.constant 0.000000e+00 : f32
    %broadcast_in_dim3A_96 = vector.broadcast %broadcast_in_dim3A_95 : f32 to vector<1x256xf32>
    %slice3A_97 = vector.extract_strided_slice %add3A_94 {offsets = [0, 0], sizes = [1023, 256], strides = [1, 1]} : vector<1024x256xf32> to vector<1023x256xf32>
    %concatenate3A_98 = tpu.concatenate %broadcast_in_dim3A_96, %slice3A_97 in 0 : vector<1x256xf32>, vector<1023x256xf32> -> vector<1024x256xf32>
    %slice3A_99 = vector.extract_strided_slice %add3A_94 {offsets = [1, 0], sizes = [1023, 256], strides = [1, 1]} : vector<1024x256xf32> to vector<1023x256xf32>
    %concatenate3A_100 = tpu.concatenate %slice3A_99, %broadcast_in_dim3A_96 in 0 : vector<1023x256xf32>, vector<1x256xf32> -> vector<1024x256xf32>
    %dot_general3A_101 = arith.constant dense<0.000000e+00> : vector<1024x256xf32>
    %dot_general3A_102 = tpu.matmul %concatenate3A_98, %get3A_38, %dot_general3A_101 {dimension_numbers = #tpu.dot_dimension_numbers<[1], [0], [0], [1], [0, 0, 1, 1], [], []>, transpose_lhs_hint = false} : vector<1024x256xf32>, vector<256x256xf32>, vector<1024x256xf32> -> vector<1024x256xf32>
    %dot_general3A_103 = arith.constant dense<0.000000e+00> : vector<1024x256xf32>
    %dot_general3A_104 = tpu.matmul %add3A_94, %get3A_41, %dot_general3A_103 {dimension_numbers = #tpu.dot_dimension_numbers<[1], [0], [0], [1], [0, 0, 1, 1], [], []>, transpose_lhs_hint = false} : vector<1024x256xf32>, vector<256x256xf32>, vector<1024x256xf32> -> vector<1024x256xf32>
    %add3A_105 = arith.addf %dot_general3A_102, %dot_general3A_104 : vector<1024x256xf32>
    %dot_general3A_106 = arith.constant dense<0.000000e+00> : vector<1024x256xf32>
    %dot_general3A_107 = tpu.matmul %concatenate3A_100, %get3A_44, %dot_general3A_106 {dimension_numbers = #tpu.dot_dimension_numbers<[1], [0], [0], [1], [0, 0, 1, 1], [], []>, transpose_lhs_hint = false} : vector<1024x256xf32>, vector<256x256xf32>, vector<1024x256xf32> -> vector<1024x256xf32>
    %add3A_108 = arith.addf %add3A_105, %dot_general3A_107 : vector<1024x256xf32>
    %add3A_109 = vector.broadcast %get3A_47 : vector<1x256xf32> to vector<1024x256xf32>
    %add3A_110 = arith.addf %add3A_108, %add3A_109 : vector<1024x256xf32>
    %max3A_111 = arith.constant 0.000000e+00 : f32
    %max3A_112 = vector.broadcast %max3A_111 : f32 to vector<1024x256xf32>
    %max3A_113 = arith.maximumf %add3A_110, %max3A_112 : vector<1024x256xf32>
    %reduce_sum3A_114 = arith.constant dense<0.000000e+00> : vector<1024xf32>
    %reduce_sum3A_115 = vector.multi_reduction <add>, %max3A_113, %reduce_sum3A_114 [1] : vector<1024x256xf32> to vector<1024xf32>
    %broadcast_in_dim3A_116 = vector.shape_cast %reduce_sum3A_115 : vector<1024xf32> to vector<1024x1xf32>
    %div3A_117 = arith.constant 2.560000e+02 : f32
    %div3A_118 = vector.broadcast %div3A_117 : f32 to vector<1024x1xf32>
    %div3A_119 = arith.divf %broadcast_in_dim3A_116, %div3A_118 : vector<1024x1xf32>
    %sub3A_120 = vector.broadcast %div3A_119 : vector<1024x1xf32> to vector<1024x256xf32>
    %sub3A_121 = arith.subf %max3A_113, %sub3A_120 : vector<1024x256xf32>
    %integer_pow3A_122 = arith.mulf %sub3A_121, %sub3A_121 : vector<1024x256xf32>
    %reduce_sum3A_123 = arith.constant dense<0.000000e+00> : vector<1024xf32>
    %reduce_sum3A_124 = vector.multi_reduction <add>, %integer_pow3A_122, %reduce_sum3A_123 [1] : vector<1024x256xf32> to vector<1024xf32>
    %broadcast_in_dim3A_125 = vector.shape_cast %reduce_sum3A_124 : vector<1024xf32> to vector<1024x1xf32>
    %div3A_126 = arith.constant 2.560000e+02 : f32
    %div3A_127 = vector.broadcast %div3A_126 : f32 to vector<1024x1xf32>
    %div3A_128 = arith.divf %broadcast_in_dim3A_125, %div3A_127 : vector<1024x1xf32>
    %sub3A_129 = vector.broadcast %div3A_119 : vector<1024x1xf32> to vector<1024x256xf32>
    %sub3A_130 = arith.subf %max3A_113, %sub3A_129 : vector<1024x256xf32>
    %add3A_131 = arith.constant 9.99999974E-6 : f32
    %add3A_132 = vector.broadcast %add3A_131 : f32 to vector<1024x1xf32>
    %add3A_133 = arith.addf %div3A_128, %add3A_132 : vector<1024x1xf32>
    %sqrt3A_134 = math.sqrt %add3A_133 : vector<1024x1xf32>
    %div3A_135 = vector.broadcast %sqrt3A_134 : vector<1024x1xf32> to vector<1024x256xf32>
    %div3A_136 = arith.divf %sub3A_130, %div3A_135 : vector<1024x256xf32>
    %mul3A_137 = vector.broadcast %get3A_50 : vector<1x256xf32> to vector<1024x256xf32>
    %mul3A_138 = arith.mulf %div3A_136, %mul3A_137 : vector<1024x256xf32>
    %add3A_139 = vector.broadcast %get3A_53 : vector<1x256xf32> to vector<1024x256xf32>
    %add3A_140 = arith.addf %mul3A_138, %add3A_139 : vector<1024x256xf32>
    %dot_general3A_141 = arith.constant dense<0.000000e+00> : vector<1024x1xf32>
    %dot_general3A_142 = tpu.matmul %add3A_140, %get3A_56, %dot_general3A_141 {dimension_numbers = #tpu.dot_dimension_numbers<[1], [0], [0], [1], [0, 0, 1, 1], [], []>, transpose_lhs_hint = false} : vector<1024x256xf32>, vector<256x1xf32>, vector<1024x1xf32> -> vector<1024x1xf32>
    %add3A_143 = vector.broadcast %get3A_59 : vector<1x1xf32> to vector<1024x1xf32>
    %add3A_144 = arith.addf %dot_general3A_142, %add3A_143 : vector<1024x1xf32>
    %jit3A_145 = arith.constant 0.000000e+00 : f32
    %broadcast_in_dim3A_146 = vector.broadcast %jit3A_145 : f32 to vector<1024x1xf32>
    %select_n3A_147 = arith.select %ge3A_4, %broadcast_in_dim3A_146, %add3A_144 : vector<1024x1xi1>, vector<1024x1xf32>
    %swap3A_148 = arith.constant 0 : index
    %swap3A_149 = arith.constant 0 : index
    %swap3A_150 = arith.constant 0 : index
    %swap3A_151 = vector.load %arg37[%swap3A_148, %swap3A_149, %swap3A_150] : memref<1x1024x1xf32, #tpu.memory_space<vmem>>, vector<1x1024x1xf32>
    %swap3A_152 = vector.shape_cast %swap3A_151 : vector<1x1024x1xf32> to vector<1024x1xf32>
    %swap3A_153 = vector.shape_cast %select_n3A_147 : vector<1024x1xf32> to vector<1x1024x1xf32>
    tpu.vector_store %arg37[%swap3A_148, %swap3A_149, %swap3A_150], %swap3A_153 {strides = array<i32>} : memref<1x1024x1xf32, #tpu.memory_space<vmem>>, vector<1x1024x1xf32>,
    %get3A_154 = arith.constant 0 : index
    %get3A_155 = arith.constant 0 : index
    %get3A_156 = vector.load %arg31[%get3A_154, %get3A_155] : memref<1x256xf32, #tpu.memory_space<vmem>>, vector<1x256xf32>
    %lt3A = vector.broadcast %get3A_156 : vector<1x256xf32> to vector<1024x256xf32>
    %lt3A_157 = vector.broadcast %select_n3A_147 : vector<1024x1xf32> to vector<1024x256xf32>
    %lt3A_158 = arith.cmpf olt, %lt3A, %lt3A_157 : vector<1024x256xf32>
    %convert_element_type3A_159 = arith.extui %lt3A_158 : vector<1024x256xi1> to vector<1024x256xi32>
    %reduce_sum3A_160 = arith.constant dense<0> : vector<1024xi32>
    %reduce_sum3A_161 = vector.multi_reduction <add>, %convert_element_type3A_159, %reduce_sum3A_160 [1] : vector<1024x256xi32> to vector<1024xi32>
    %broadcast_in_dim3A_162 = vector.shape_cast %reduce_sum3A_161 : vector<1024xi32> to vector<1024x1xi32>
    %iota3A_163 = tpu.iota {dimensions = array<i32: 1>} : vector<1x256xi32>
    %eq3A = vector.broadcast %iota3A_163 : vector<1x256xi32> to vector<1024x256xi32>
    %eq3A_164 = vector.broadcast %broadcast_in_dim3A_162 : vector<1024x1xi32> to vector<1024x256xi32>
    %eq3A_165 = arith.cmpi eq, %eq3A, %eq3A_164 : vector<1024x256xi32>
    %convert_element_type3A_166 = arith.extui %eq3A_165 : vector<1024x256xi1> to vector<1024x256xi32>
    %convert_element_type3A_167 = arith.sitofp %convert_element_type3A_166 : vector<1024x256xi32> to vector<1024x256xf32>
    %get3A_168 = arith.constant 0 : index
    %get3A_169 = arith.constant 0 : index
    %get3A_170 = vector.load %arg33[%get3A_168, %get3A_169] : memref<256x256xf32, #tpu.memory_space<vmem>>, vector<256x256xf32>
    %dot_general3A_171 = arith.constant dense<0.000000e+00> : vector<1024x256xf32>
    %dot_general3A_172 = tpu.matmul %convert_element_type3A_167, %get3A_170, %dot_general3A_171 {dimension_numbers = #tpu.dot_dimension_numbers<[1], [0], [0], [1], [0, 0, 1, 1], [], []>, precision = #tpu.contract_precision<fp32>, transpose_lhs_hint = false} : vector<1024x256xf32>, vector<256x256xf32>, vector<1024x256xf32> -> vector<1024x256xf32>
    %swap3A_173 = arith.constant 0 : index
    %swap3A_174 = arith.constant 0 : index
    %swap3A_175 = arith.constant 0 : index
    %swap3A_176 = vector.load %arg39[%swap3A_173, %swap3A_174, %swap3A_175] : memref<1x1024x256xf32, #tpu.memory_space<vmem>>, vector<1x1024x256xf32>
    %swap3A_177 = vector.shape_cast %swap3A_176 : vector<1x1024x256xf32> to vector<1024x256xf32>
    %swap3A_178 = vector.shape_cast %dot_general3A_172 : vector<1024x256xf32> to vector<1x1024x256xf32>
    tpu.vector_store %arg39[%swap3A_173, %swap3A_174, %swap3A_175], %swap3A_178 {strides = array<i32>} : memref<1x1024x256xf32, #tpu.memory_space<vmem>>, vector<1x1024x256xf32>,
    %add3A_179 = vector.broadcast %select_n3A_147 : vector<1024x1xf32> to vector<1024x256xf32>
    %add3A_180 = arith.addf %select_n3A, %add3A_179 : vector<1024x256xf32>
    %get3A_181 = arith.constant 0 : index
    %get3A_182 = arith.constant 0 : index
    %get3A_183 = vector.load %arg17[%get3A_181, %get3A_182] : memref<256x256xf32, #tpu.memory_space<vmem>>, vector<256x256xf32>
    %get3A_184 = arith.constant 0 : index
    %get3A_185 = arith.constant 0 : index
    %get3A_186 = vector.load %arg18[%get3A_184, %get3A_185] : memref<256x256xf32, #tpu.memory_space<vmem>>, vector<256x256xf32>
    %get3A_187 = arith.constant 0 : index
    %get3A_188 = arith.constant 0 : index
    %get3A_189 = vector.load %arg19[%get3A_187, %get3A_188] : memref<256x256xf32, #tpu.memory_space<vmem>>, vector<256x256xf32>
    %get3A_190 = arith.constant 0 : index
    %get3A_191 = arith.constant 0 : index
    %get3A_192 = vector.load %arg20[%get3A_190, %get3A_191] : memref<1x256xf32, #tpu.memory_space<vmem>>, vector<1x256xf32>
    %get3A_193 = arith.constant 0 : index
    %get3A_194 = arith.constant 0 : index
    %get3A_195 = vector.load %arg21[%get3A_193, %get3A_194] : memref<1x256xf32, #tpu.memory_space<vmem>>, vector<1x256xf32>
    %get3A_196 = arith.constant 0 : index
    %get3A_197 = arith.constant 0 : index
    %get3A_198 = vector.load %arg22[%get3A_196, %get3A_197] : memref<1x256xf32, #tpu.memory_space<vmem>>, vector<1x256xf32>
    %get3A_199 = arith.constant 0 : index
    %get3A_200 = arith.constant 0 : index
    %get3A_201 = vector.load %arg23[%get3A_199, %get3A_200] : memref<256x256xf32, #tpu.memory_space<vmem>>, vector<256x256xf32>
    %get3A_202 = arith.constant 0 : index
    %get3A_203 = arith.constant 0 : index
    %get3A_204 = vector.load %arg24[%get3A_202, %get3A_203] : memref<256x256xf32, #tpu.memory_space<vmem>>, vector<256x256xf32>
    %get3A_205 = arith.constant 0 : index
    %get3A_206 = arith.constant 0 : index
    %get3A_207 = vector.load %arg25[%get3A_205, %get3A_206] : memref<256x256xf32, #tpu.memory_space<vmem>>, vector<256x256xf32>
    %get3A_208 = arith.constant 0 : index
    %get3A_209 = arith.constant 0 : index
    %get3A_210 = vector.load %arg26[%get3A_208, %get3A_209] : memref<1x256xf32, #tpu.memory_space<vmem>>, vector<1x256xf32>
    %get3A_211 = arith.constant 0 : index
    %get3A_212 = arith.constant 0 : index
    %get3A_213 = vector.load %arg27[%get3A_211, %get3A_212] : memref<1x256xf32, #tpu.memory_space<vmem>>, vector<1x256xf32>
    %get3A_214 = arith.constant 0 : index
    %get3A_215 = arith.constant 0 : index
    %get3A_216 = vector.load %arg28[%get3A_214, %get3A_215] : memref<1x256xf32, #tpu.memory_space<vmem>>, vector<1x256xf32>
    %get3A_217 = arith.constant 0 : index
    %get3A_218 = arith.constant 0 : index
    %get3A_219 = vector.load %arg29[%get3A_217, %get3A_218] : memref<256x1xf32, #tpu.memory_space<vmem>>, vector<256x1xf32>
    %get3A_220 = arith.constant 0 : index
    %get3A_221 = arith.constant 0 : index
    %get3A_222 = vector.load %arg30[%get3A_220, %get3A_221] : memref<1x1xf32, #tpu.memory_space<vmem>>, vector<1x1xf32>
    %broadcast_in_dim3A_223 = arith.constant 0.000000e+00 : f32
    %broadcast_in_dim3A_224 = vector.broadcast %broadcast_in_dim3A_223 : f32 to vector<1x256xf32>
    %slice3A_225 = vector.extract_strided_slice %add3A_180 {offsets = [0, 0], sizes = [1023, 256], strides = [1, 1]} : vector<1024x256xf32> to vector<1023x256xf32>
    %concatenate3A_226 = tpu.concatenate %broadcast_in_dim3A_224, %slice3A_225 in 0 : vector<1x256xf32>, vector<1023x256xf32> -> vector<1024x256xf32>
    %slice3A_227 = vector.extract_strided_slice %add3A_180 {offsets = [1, 0], sizes = [1023, 256], strides = [1, 1]} : vector<1024x256xf32> to vector<1023x256xf32>
    %concatenate3A_228 = tpu.concatenate %slice3A_227, %broadcast_in_dim3A_224 in 0 : vector<1023x256xf32>, vector<1x256xf32> -> vector<1024x256xf32>
    %dot_general3A_229 = arith.constant dense<0.000000e+00> : vector<1024x256xf32>
    %dot_general3A_230 = tpu.matmul %concatenate3A_226, %get3A_183, %dot_general3A_229 {dimension_numbers = #tpu.dot_dimension_numbers<[1], [0], [0], [1], [0, 0, 1, 1], [], []>, transpose_lhs_hint = false} : vector<1024x256xf32>, vector<256x256xf32>, vector<1024x256xf32> -> vector<1024x256xf32>
    %dot_general3A_231 = arith.constant dense<0.000000e+00> : vector<1024x256xf32>
    %dot_general3A_232 = tpu.matmul %add3A_180, %get3A_186, %dot_general3A_231 {dimension_numbers = #tpu.dot_dimension_numbers<[1], [0], [0], [1], [0, 0, 1, 1], [], []>, transpose_lhs_hint = false} : vector<1024x256xf32>, vector<256x256xf32>, vector<1024x256xf32> -> vector<1024x256xf32>
    %add3A_233 = arith.addf %dot_general3A_230, %dot_general3A_232 : vector<1024x256xf32>
    %dot_general3A_234 = arith.constant dense<0.000000e+00> : vector<1024x256xf32>
    %dot_general3A_235 = tpu.matmul %concatenate3A_228, %get3A_189, %dot_general3A_234 {dimension_numbers = #tpu.dot_dimension_numbers<[1], [0], [0], [1], [0, 0, 1, 1], [], []>, transpose_lhs_hint = false} : vector<1024x256xf32>, vector<256x256xf32>, vector<1024x256xf32> -> vector<1024x256xf32>
    %add3A_236 = arith.addf %add3A_233, %dot_general3A_235 : vector<1024x256xf32>
    %add3A_237 = vector.broadcast %get3A_192 : vector<1x256xf32> to vector<1024x256xf32>
    %add3A_238 = arith.addf %add3A_236, %add3A_237 : vector<1024x256xf32>
    %max3A_239 = arith.constant 0.000000e+00 : f32
    %max3A_240 = vector.broadcast %max3A_239 : f32 to vector<1024x256xf32>
    %max3A_241 = arith.maximumf %add3A_238, %max3A_240 : vector<1024x256xf32>
    %reduce_sum3A_242 = arith.constant dense<0.000000e+00> : vector<1024xf32>
    %reduce_sum3A_243 = vector.multi_reduction <add>, %max3A_241, %reduce_sum3A_242 [1] : vector<1024x256xf32> to vector<1024xf32>
    %broadcast_in_dim3A_244 = vector.shape_cast %reduce_sum3A_243 : vector<1024xf32> to vector<1024x1xf32>
    %div3A_245 = arith.constant 2.560000e+02 : f32
    %div3A_246 = vector.broadcast %div3A_245 : f32 to vector<1024x1xf32>
    %div3A_247 = arith.divf %broadcast_in_dim3A_244, %div3A_246 : vector<1024x1xf32>
    %sub3A_248 = vector.broadcast %div3A_247 : vector<1024x1xf32> to vector<1024x256xf32>
    %sub3A_249 = arith.subf %max3A_241, %sub3A_248 : vector<1024x256xf32>
    %integer_pow3A_250 = arith.mulf %sub3A_249, %sub3A_249 : vector<1024x256xf32>
    %reduce_sum3A_251 = arith.constant dense<0.000000e+00> : vector<1024xf32>
    %reduce_sum3A_252 = vector.multi_reduction <add>, %integer_pow3A_250, %reduce_sum3A_251 [1] : vector<1024x256xf32> to vector<1024xf32>
    %broadcast_in_dim3A_253 = vector.shape_cast %reduce_sum3A_252 : vector<1024xf32> to vector<1024x1xf32>
    %div3A_254 = arith.constant 2.560000e+02 : f32
    %div3A_255 = vector.broadcast %div3A_254 : f32 to vector<1024x1xf32>
    %div3A_256 = arith.divf %broadcast_in_dim3A_253, %div3A_255 : vector<1024x1xf32>
    %sub3A_257 = vector.broadcast %div3A_247 : vector<1024x1xf32> to vector<1024x256xf32>
    %sub3A_258 = arith.subf %max3A_241, %sub3A_257 : vector<1024x256xf32>
    %add3A_259 = arith.constant 9.99999974E-6 : f32
    %add3A_260 = vector.broadcast %add3A_259 : f32 to vector<1024x1xf32>
    %add3A_261 = arith.addf %div3A_256, %add3A_260 : vector<1024x1xf32>
    %sqrt3A_262 = math.sqrt %add3A_261 : vector<1024x1xf32>
    %div3A_263 = vector.broadcast %sqrt3A_262 : vector<1024x1xf32> to vector<1024x256xf32>
    %div3A_264 = arith.divf %sub3A_258, %div3A_263 : vector<1024x256xf32>
    %mul3A_265 = vector.broadcast %get3A_195 : vector<1x256xf32> to vector<1024x256xf32>
    %mul3A_266 = arith.mulf %div3A_264, %mul3A_265 : vector<1024x256xf32>
    %add3A_267 = vector.broadcast %get3A_198 : vector<1x256xf32> to vector<1024x256xf32>
    %add3A_268 = arith.addf %mul3A_266, %add3A_267 : vector<1024x256xf32>
    %broadcast_in_dim3A_269 = arith.constant 0.000000e+00 : f32
    %broadcast_in_dim3A_270 = vector.broadcast %broadcast_in_dim3A_269 : f32 to vector<1x256xf32>
    %slice3A_271 = vector.extract_strided_slice %add3A_268 {offsets = [0, 0], sizes = [1023, 256], strides = [1, 1]} : vector<1024x256xf32> to vector<1023x256xf32>
    %concatenate3A_272 = tpu.concatenate %broadcast_in_dim3A_270, %slice3A_271 in 0 : vector<1x256xf32>, vector<1023x256xf32> -> vector<1024x256xf32>
    %slice3A_273 = vector.extract_strided_slice %add3A_268 {offsets = [1, 0], sizes = [1023, 256], strides = [1, 1]} : vector<1024x256xf32> to vector<1023x256xf32>
    %concatenate3A_274 = tpu.concatenate %slice3A_273, %broadcast_in_dim3A_270 in 0 : vector<1023x256xf32>, vector<1x256xf32> -> vector<1024x256xf32>
    %dot_general3A_275 = arith.constant dense<0.000000e+00> : vector<1024x256xf32>
    %dot_general3A_276 = tpu.matmul %concatenate3A_272, %get3A_201, %dot_general3A_275 {dimension_numbers = #tpu.dot_dimension_numbers<[1], [0], [0], [1], [0, 0, 1, 1], [], []>, transpose_lhs_hint = false} : vector<1024x256xf32>, vector<256x256xf32>, vector<1024x256xf32> -> vector<1024x256xf32>
    %dot_general3A_277 = arith.constant dense<0.000000e+00> : vector<1024x256xf32>
    %dot_general3A_278 = tpu.matmul %add3A_268, %get3A_204, %dot_general3A_277 {dimension_numbers = #tpu.dot_dimension_numbers<[1], [0], [0], [1], [0, 0, 1, 1], [], []>, transpose_lhs_hint = false} : vector<1024x256xf32>, vector<256x256xf32>, vector<1024x256xf32> -> vector<1024x256xf32>
    %add3A_279 = arith.addf %dot_general3A_276, %dot_general3A_278 : vector<1024x256xf32>
    %dot_general3A_280 = arith.constant dense<0.000000e+00> : vector<1024x256xf32>
    %dot_general3A_281 = tpu.matmul %concatenate3A_274, %get3A_207, %dot_general3A_280 {dimension_numbers = #tpu.dot_dimension_numbers<[1], [0], [0], [1], [0, 0, 1, 1], [], []>, transpose_lhs_hint = false} : vector<1024x256xf32>, vector<256x256xf32>, vector<1024x256xf32> -> vector<1024x256xf32>
    %add3A_282 = arith.addf %add3A_279, %dot_general3A_281 : vector<1024x256xf32>
    %add3A_283 = vector.broadcast %get3A_210 : vector<1x256xf32> to vector<1024x256xf32>
    %add3A_284 = arith.addf %add3A_282, %add3A_283 : vector<1024x256xf32>
    %max3A_285 = arith.constant 0.000000e+00 : f32
    %max3A_286 = vector.broadcast %max3A_285 : f32 to vector<1024x256xf32>
    %max3A_287 = arith.maximumf %add3A_284, %max3A_286 : vector<1024x256xf32>
    %reduce_sum3A_288 = arith.constant dense<0.000000e+00> : vector<1024xf32>
    %reduce_sum3A_289 = vector.multi_reduction <add>, %max3A_287, %reduce_sum3A_288 [1] : vector<1024x256xf32> to vector<1024xf32>
    %broadcast_in_dim3A_290 = vector.shape_cast %reduce_sum3A_289 : vector<1024xf32> to vector<1024x1xf32>
    %div3A_291 = arith.constant 2.560000e+02 : f32
    %div3A_292 = vector.broadcast %div3A_291 : f32 to vector<1024x1xf32>
    %div3A_293 = arith.divf %broadcast_in_dim3A_290, %div3A_292 : vector<1024x1xf32>
    %sub3A_294 = vector.broadcast %div3A_293 : vector<1024x1xf32> to vector<1024x256xf32>
    %sub3A_295 = arith.subf %max3A_287, %sub3A_294 : vector<1024x256xf32>
    %integer_pow3A_296 = arith.mulf %sub3A_295, %sub3A_295 : vector<1024x256xf32>
    %reduce_sum3A_297 = arith.constant dense<0.000000e+00> : vector<1024xf32>
    %reduce_sum3A_298 = vector.multi_reduction <add>, %integer_pow3A_296, %reduce_sum3A_297 [1] : vector<1024x256xf32> to vector<1024xf32>
    %broadcast_in_dim3A_299 = vector.shape_cast %reduce_sum3A_298 : vector<1024xf32> to vector<1024x1xf32>
    %div3A_300 = arith.constant 2.560000e+02 : f32
    %div3A_301 = vector.broadcast %div3A_300 : f32 to vector<1024x1xf32>
    %div3A_302 = arith.divf %broadcast_in_dim3A_299, %div3A_301 : vector<1024x1xf32>
    %sub3A_303 = vector.broadcast %div3A_293 : vector<1024x1xf32> to vector<1024x256xf32>
    %sub3A_304 = arith.subf %max3A_287, %sub3A_303 : vector<1024x256xf32>
    %add3A_305 = arith.constant 9.99999974E-6 : f32
    %add3A_306 = vector.broadcast %add3A_305 : f32 to vector<1024x1xf32>
    %add3A_307 = arith.addf %div3A_302, %add3A_306 : vector<1024x1xf32>
    %sqrt3A_308 = math.sqrt %add3A_307 : vector<1024x1xf32>
    %div3A_309 = vector.broadcast %sqrt3A_308 : vector<1024x1xf32> to vector<1024x256xf32>
    %div3A_310 = arith.divf %sub3A_304, %div3A_309 : vector<1024x256xf32>
    %mul3A_311 = vector.broadcast %get3A_213 : vector<1x256xf32> to vector<1024x256xf32>
    %mul3A_312 = arith.mulf %div3A_310, %mul3A_311 : vector<1024x256xf32>
    %add3A_313 = vector.broadcast %get3A_216 : vector<1x256xf32> to vector<1024x256xf32>
    %add3A_314 = arith.addf %mul3A_312, %add3A_313 : vector<1024x256xf32>
    %dot_general3A_315 = arith.constant dense<0.000000e+00> : vector<1024x1xf32>
    %dot_general3A_316 = tpu.matmul %add3A_314, %get3A_219, %dot_general3A_315 {dimension_numbers = #tpu.dot_dimension_numbers<[1], [0], [0], [1], [0, 0, 1, 1], [], []>, transpose_lhs_hint = false} : vector<1024x256xf32>, vector<256x1xf32>, vector<1024x1xf32> -> vector<1024x1xf32>
    %add3A_317 = vector.broadcast %get3A_222 : vector<1x1xf32> to vector<1024x1xf32>
    %add3A_318 = arith.addf %dot_general3A_316, %add3A_317 : vector<1024x1xf32>
    %jit3A_319 = arith.constant 0.000000e+00 : f32
    %broadcast_in_dim3A_320 = vector.broadcast %jit3A_319 : f32 to vector<1024x1xf32>
    %select_n3A_321 = arith.select %ge3A_4, %broadcast_in_dim3A_320, %add3A_318 : vector<1024x1xi1>, vector<1024x1xf32>
    %swap3A_322 = arith.constant 0 : index
    %swap3A_323 = arith.constant 0 : index
    %swap3A_324 = arith.constant 0 : index
    %swap3A_325 = vector.load %arg38[%swap3A_322, %swap3A_323, %swap3A_324] : memref<1x1024x1xf32, #tpu.memory_space<vmem>>, vector<1x1024x1xf32>
    %swap3A_326 = vector.shape_cast %swap3A_325 : vector<1x1024x1xf32> to vector<1024x1xf32>
    %swap3A_327 = vector.shape_cast %select_n3A_321 : vector<1024x1xf32> to vector<1x1024x1xf32>
    tpu.vector_store %arg38[%swap3A_322, %swap3A_323, %swap3A_324], %swap3A_327 {strides = array<i32>} : memref<1x1024x1xf32, #tpu.memory_space<vmem>>, vector<1x1024x1xf32>,
    %get3A_328 = arith.constant 0 : index
    %get3A_329 = arith.constant 0 : index
    %get3A_330 = vector.load %arg32[%get3A_328, %get3A_329] : memref<1x256xf32, #tpu.memory_space<vmem>>, vector<1x256xf32>
    %lt3A_331 = vector.broadcast %get3A_330 : vector<1x256xf32> to vector<1024x256xf32>
    %lt3A_332 = vector.broadcast %select_n3A_321 : vector<1024x1xf32> to vector<1024x256xf32>
    %lt3A_333 = arith.cmpf olt, %lt3A_331, %lt3A_332 : vector<1024x256xf32>
    %convert_element_type3A_334 = arith.extui %lt3A_333 : vector<1024x256xi1> to vector<1024x256xi32>
    %reduce_sum3A_335 = arith.constant dense<0> : vector<1024xi32>
    %reduce_sum3A_336 = vector.multi_reduction <add>, %convert_element_type3A_334, %reduce_sum3A_335 [1] : vector<1024x256xi32> to vector<1024xi32>
    %broadcast_in_dim3A_337 = vector.shape_cast %reduce_sum3A_336 : vector<1024xi32> to vector<1024x1xi32>
    %eq3A_338 = vector.broadcast %iota3A_163 : vector<1x256xi32> to vector<1024x256xi32>
    %eq3A_339 = vector.broadcast %broadcast_in_dim3A_337 : vector<1024x1xi32> to vector<1024x256xi32>
    %eq3A_340 = arith.cmpi eq, %eq3A_338, %eq3A_339 : vector<1024x256xi32>
    %convert_element_type3A_341 = arith.extui %eq3A_340 : vector<1024x256xi1> to vector<1024x256xi32>
    %convert_element_type3A_342 = arith.sitofp %convert_element_type3A_341 : vector<1024x256xi32> to vector<1024x256xf32>
    %get3A_343 = arith.constant 0 : index
    %get3A_344 = arith.constant 0 : index
    %get3A_345 = vector.load %arg34[%get3A_343, %get3A_344] : memref<256x256xf32, #tpu.memory_space<vmem>>, vector<256x256xf32>
    %dot_general3A_346 = arith.constant dense<0.000000e+00> : vector<1024x256xf32>
    %dot_general3A_347 = tpu.matmul %convert_element_type3A_342, %get3A_345, %dot_general3A_346 {dimension_numbers = #tpu.dot_dimension_numbers<[1], [0], [0], [1], [0, 0, 1, 1], [], []>, precision = #tpu.contract_precision<fp32>, transpose_lhs_hint = false} : vector<1024x256xf32>, vector<256x256xf32>, vector<1024x256xf32> -> vector<1024x256xf32>
    %swap3A_348 = arith.constant 0 : index
    %swap3A_349 = arith.constant 0 : index
    %swap3A_350 = arith.constant 0 : index
    %swap3A_351 = vector.load %arg40[%swap3A_348, %swap3A_349, %swap3A_350] : memref<1x1024x256xf32, #tpu.memory_space<vmem>>, vector<1x1024x256xf32>
    %swap3A_352 = vector.shape_cast %swap3A_351 : vector<1x1024x256xf32> to vector<1024x256xf32>
    %swap3A_353 = vector.shape_cast %dot_general3A_347 : vector<1024x256xf32> to vector<1x1024x256xf32>
    tpu.vector_store %arg40[%swap3A_348, %swap3A_349, %swap3A_350], %swap3A_353 {strides = array<i32>} : memref<1x1024x256xf32, #tpu.memory_space<vmem>>, vector<1x1024x256xf32>,
    %add3A_354 = vector.broadcast %select_n3A_321 : vector<1024x1xf32> to vector<1024x256xf32>
    %add3A_355 = arith.addf %add3A_180, %add3A_354 : vector<1024x256xf32>
    %swap3A_356 = arith.constant 0 : index
    %swap3A_357 = arith.constant 0 : index
    %swap3A_358 = arith.constant 0 : index
    %swap3A_359 = vector.load %arg35[%swap3A_356, %swap3A_357, %swap3A_358] : memref<1x1024x256xf32, #tpu.memory_space<vmem>>, vector<1x1024x256xf32>
    %swap3A_360 = vector.shape_cast %swap3A_359 : vector<1x1024x256xf32> to vector<1024x256xf32>
    %swap3A_361 = vector.shape_cast %add3A_355 : vector<1024x256xf32> to vector<1x1024x256xf32>
    tpu.vector_store %arg35[%swap3A_356, %swap3A_357, %swap3A_358], %swap3A_361 {strides = array<i32>} : memref<1x1024x256xf32, #tpu.memory_space<vmem>>, vector<1x1024x256xf32>,
    return
  }
  func.func @transform_0(%arg0: i32) -> (i32, i32, i32) {
    %c0_i32 = arith.constant 0 : i32
    %c0_i32_0 = arith.constant 0 : i32
    %c0_i32_1 = arith.constant 0 : i32
    return %arg0, %c0_i32, %c0_i32_0 : i32, i32, i32
  }
  func.func @transform_1(%arg0: i32) -> (i32, i32, i32) {
    %c0_i32 = arith.constant 0 : i32
    %c0_i32_0 = arith.constant 0 : i32
    %c0_i32_1 = arith.constant 0 : i32
    return %arg0, %c0_i32, %c0_i32_0 : i32, i32, i32
  }
  func.func @transform_2(%arg0: i32) -> (i32, i32) {
    %c0_i32 = arith.constant 0 : i32
    %c0_i32_0 = arith.constant 0 : i32
    %c0_i32_1 = arith.constant 0 : i32
    return %c0_i32, %c0_i32_0 : i32, i32
  }
  func.func @transform_3(%arg0: i32) -> (i32, i32) {
    %c0_i32 = arith.constant 0 : i32
    %c0_i32_0 = arith.constant 0 : i32
    %c0_i32_1 = arith.constant 0 : i32
    return %c0_i32, %c0_i32_0 : i32, i32
  }
  func.func @transform_4(%arg0: i32) -> (i32, i32) {
    %c0_i32 = arith.constant 0 : i32
    %c0_i32_0 = arith.constant 0 : i32
    %c0_i32_1 = arith.constant 0 : i32
    return %c0_i32, %c0_i32_0 : i32, i32
  }
  func.func @transform_5(%arg0: i32) -> (i32, i32) {
    %c0_i32 = arith.constant 0 : i32
    %c0_i32_0 = arith.constant 0 : i32
    %c0_i32_1 = arith.constant 0 : i32
    return %c0_i32, %c0_i32_0 : i32, i32
  }
  func.func @transform_6(%arg0: i32) -> (i32, i32) {
    %c0_i32 = arith.constant 0 : i32
    %c0_i32_0 = arith.constant 0 : i32
    %c0_i32_1 = arith.constant 0 : i32
    return %c0_i32, %c0_i32_0 : i32, i32
  }
  func.func @transform_7(%arg0: i32) -> (i32, i32) {
    %c0_i32 = arith.constant 0 : i32
    %c0_i32_0 = arith.constant 0 : i32
    %c0_i32_1 = arith.constant 0 : i32
    return %c0_i32, %c0_i32_0 : i32, i32
  }
  func.func @transform_8(%arg0: i32) -> (i32, i32) {
    %c0_i32 = arith.constant 0 : i32
    %c0_i32_0 = arith.constant 0 : i32
    %c0_i32_1 = arith.constant 0 : i32
    return %c0_i32, %c0_i32_0 : i32, i32
  }
  func.func @transform_9(%arg0: i32) -> (i32, i32) {
    %c0_i32 = arith.constant 0 : i32
    %c0_i32_0 = arith.constant 0 : i32
    %c0_i32_1 = arith.constant 0 : i32
    return %c0_i32, %c0_i32_0 : i32, i32
  }
  func.func @transform_10(%arg0: i32) -> (i32, i32) {
    %c0_i32 = arith.constant 0 : i32
    %c0_i32_0 = arith.constant 0 : i32
    %c0_i32_1 = arith.constant 0 : i32
    return %c0_i32, %c0_i32_0 : i32, i32
  }
  func.func @transform_11(%arg0: i32) -> (i32, i32) {
    %c0_i32 = arith.constant 0 : i32
    %c0_i32_0 = arith.constant 0 : i32
    %c0_i32_1 = arith.constant 0 : i32
    return %c0_i32, %c0_i32_0 : i32, i32
  }
  func.func @transform_12(%arg0: i32) -> (i32, i32) {
    %c0_i32 = arith.constant 0 : i32
    %c0_i32_0 = arith.constant 0 : i32
    %c0_i32_1 = arith.constant 0 : i32
    return %c0_i32, %c0_i32_0 : i32, i32
  }
  func.func @transform_13(%arg0: i32) -> (i32, i32) {
    %c0_i32 = arith.constant 0 : i32
    %c0_i32_0 = arith.constant 0 : i32
    %c0_i32_1 = arith.constant 0 : i32
    return %c0_i32, %c0_i32_0 : i32, i32
  }
  func.func @transform_14(%arg0: i32) -> (i32, i32) {
    %c0_i32 = arith.constant 0 : i32
    %c0_i32_0 = arith.constant 0 : i32
    %c0_i32_1 = arith.constant 0 : i32
    return %c0_i32, %c0_i32_0 : i32, i32
  }
  func.func @transform_15(%arg0: i32) -> (i32, i32) {
    %c0_i32 = arith.constant 0 : i32
    %c0_i32_0 = arith.constant 0 : i32
    %c0_i32_1 = arith.constant 0 : i32
    return %c0_i32, %c0_i32_0 : i32, i32
  }
  func.func @transform_16(%arg0: i32) -> (i32, i32) {
    %c0_i32 = arith.constant 0 : i32
    %c0_i32_0 = arith.constant 0 : i32
    %c0_i32_1 = arith.constant 0 : i32
    return %c0_i32, %c0_i32_0 : i32, i32
  }
  func.func @transform_17(%arg0: i32) -> (i32, i32) {
    %c0_i32 = arith.constant 0 : i32
    %c0_i32_0 = arith.constant 0 : i32
    %c0_i32_1 = arith.constant 0 : i32
    return %c0_i32, %c0_i32_0 : i32, i32
  }
  func.func @transform_18(%arg0: i32) -> (i32, i32) {
    %c0_i32 = arith.constant 0 : i32
    %c0_i32_0 = arith.constant 0 : i32
    %c0_i32_1 = arith.constant 0 : i32
    return %c0_i32, %c0_i32_0 : i32, i32
  }
  func.func @transform_19(%arg0: i32) -> (i32, i32) {
    %c0_i32 = arith.constant 0 : i32
    %c0_i32_0 = arith.constant 0 : i32
    %c0_i32_1 = arith.constant 0 : i32
    return %c0_i32, %c0_i32_0 : i32, i32
  }
  func.func @transform_20(%arg0: i32) -> (i32, i32) {
    %c0_i32 = arith.constant 0 : i32
    %c0_i32_0 = arith.constant 0 : i32
    %c0_i32_1 = arith.constant 0 : i32
    return %c0_i32, %c0_i32_0 : i32, i32
  }
  func.func @transform_21(%arg0: i32) -> (i32, i32) {
    %c0_i32 = arith.constant 0 : i32
    %c0_i32_0 = arith.constant 0 : i32
    %c0_i32_1 = arith.constant 0 : i32
    return %c0_i32, %c0_i32_0 : i32, i32
  }
  func.func @transform_22(%arg0: i32) -> (i32, i32) {
    %c0_i32 = arith.constant 0 : i32
    %c0_i32_0 = arith.constant 0 : i32
    %c0_i32_1 = arith.constant 0 : i32
    return %c0_i32, %c0_i32_0 : i32, i32
  }
  func.func @transform_23(%arg0: i32) -> (i32, i32) {
    %c0_i32 = arith.constant 0 : i32
    %c0_i32_0 = arith.constant 0 : i32
    %c0_i32_1 = arith.constant 0 : i32
    return %c0_i32, %c0_i32_0 : i32, i32
  }
  func.func @transform_24(%arg0: i32) -> (i32, i32) {
    %c0_i32 = arith.constant 0 : i32
    %c0_i32_0 = arith.constant 0 : i32
    %c0_i32_1 = arith.constant 0 : i32
    return %c0_i32, %c0_i32_0 : i32, i32
  }
  func.func @transform_25(%arg0: i32) -> (i32, i32) {
    %c0_i32 = arith.constant 0 : i32
    %c0_i32_0 = arith.constant 0 : i32
    %c0_i32_1 = arith.constant 0 : i32
    return %c0_i32, %c0_i32_0 : i32, i32
  }
  func.func @transform_26(%arg0: i32) -> (i32, i32) {
    %c0_i32 = arith.constant 0 : i32
    %c0_i32_0 = arith.constant 0 : i32
    %c0_i32_1 = arith.constant 0 : i32
    return %c0_i32, %c0_i32_0 : i32, i32
  }
  func.func @transform_27(%arg0: i32) -> (i32, i32) {
    %c0_i32 = arith.constant 0 : i32
    %c0_i32_0 = arith.constant 0 : i32
    %c0_i32_1 = arith.constant 0 : i32
    return %c0_i32, %c0_i32_0 : i32, i32
  }
  func.func @transform_28(%arg0: i32) -> (i32, i32) {
    %c0_i32 = arith.constant 0 : i32
    %c0_i32_0 = arith.constant 0 : i32
    %c0_i32_1 = arith.constant 0 : i32
    return %c0_i32, %c0_i32_0 : i32, i32
  }
  func.func @transform_29(%arg0: i32) -> (i32, i32) {
    %c0_i32 = arith.constant 0 : i32
    %c0_i32_0 = arith.constant 0 : i32
    %c0_i32_1 = arith.constant 0 : i32
    return %c0_i32, %c0_i32_0 : i32, i32
  }
  func.func @transform_30(%arg0: i32) -> (i32, i32) {
    %c0_i32 = arith.constant 0 : i32
    %c0_i32_0 = arith.constant 0 : i32
    %c0_i32_1 = arith.constant 0 : i32
    return %c0_i32, %c0_i32_0 : i32, i32
  }
  func.func @transform_31(%arg0: i32) -> (i32, i32) {
    %c0_i32 = arith.constant 0 : i32
    %c0_i32_0 = arith.constant 0 : i32
    %c0_i32_1 = arith.constant 0 : i32
    return %c0_i32, %c0_i32_0 : i32, i32
  }
  func.func @transform_32(%arg0: i32) -> (i32, i32) {
    %c0_i32 = arith.constant 0 : i32
    %c0_i32_0 = arith.constant 0 : i32
    %c0_i32_1 = arith.constant 0 : i32
    return %c0_i32, %c0_i32_0 : i32, i32
  }
  func.func @transform_33(%arg0: i32) -> (i32, i32) {
    %c0_i32 = arith.constant 0 : i32
    %c0_i32_0 = arith.constant 0 : i32
    %c0_i32_1 = arith.constant 0 : i32
    return %c0_i32, %c0_i32_0 : i32, i32
  }
  func.func @transform_34(%arg0: i32) -> (i32, i32, i32) {
    %c0_i32 = arith.constant 0 : i32
    %c0_i32_0 = arith.constant 0 : i32
    %c0_i32_1 = arith.constant 0 : i32
    return %arg0, %c0_i32, %c0_i32_0 : i32, i32, i32
  }
  func.func @transform_35(%arg0: i32) -> (i32, i32, i32) {
    %c0_i32 = arith.constant 0 : i32
    %c0_i32_0 = arith.constant 0 : i32
    %c0_i32_1 = arith.constant 0 : i32
    return %arg0, %c0_i32, %c0_i32_0 : i32, i32, i32
  }
  func.func @transform_36(%arg0: i32) -> (i32, i32, i32) {
    %c0_i32 = arith.constant 0 : i32
    %c0_i32_0 = arith.constant 0 : i32
    %c0_i32_1 = arith.constant 0 : i32
    return %arg0, %c0_i32, %c0_i32_0 : i32, i32, i32
  }
  func.func @transform_37(%arg0: i32) -> (i32, i32, i32) {
    %c0_i32 = arith.constant 0 : i32
    %c0_i32_0 = arith.constant 0 : i32
    %c0_i32_1 = arith.constant 0 : i32
    return %arg0, %c0_i32, %c0_i32_0 : i32, i32, i32
  }
  func.func @transform_38(%arg0: i32) -> (i32, i32, i32) {
    %c0_i32 = arith.constant 0 : i32
    %c0_i32_0 = arith.constant 0 : i32
    %c0_i32_1 = arith.constant 0 : i32
    return %arg0, %c0_i32, %c0_i32_0 : i32, i32, i32
  }
  func.func @transform_39(%arg0: i32) -> (i32, i32, i32) {
    %c0_i32 = arith.constant 0 : i32
    %c0_i32_0 = arith.constant 0 : i32
    %c0_i32_1 = arith.constant 0 : i32
    return %arg0, %c0_i32, %c0_i32_0 : i32, i32, i32
  }
}

</mosaic_0001>

<sc_bundles>
// kernel: kernel.5.cloned.1.call-start
scs
__scs_entry_jumppad:
0x0: {  	(pc) =	sbr.rel $0x88, $3  }
0x1: {  	(tag) =	ssettag $0x0;
	lr =	simm.s32 $0x1  }
0x2: {  	[smem:$0x3F7C] =	sst lr;
	_ =	strace $0xD0000000  }
0x3: {  	_ = 	snop  }
0x4: {  	_ = 	snop  }
0x5: {  	_ = 	snop  }
0x6: {  	_ = 	snop  }
0x7: {  	_ = 	snop  }
__scs_overlays_trampoline_lowered:
0x8: {  	[smem:$0x3F8B] =	sst s0  }
0x9: {  	[smem:$0x3F8C] =	sst s1  }
0xa: {  	[smem:$0x3F8D] =	sst s2  }
0xb: {  	[smem:$0x3F8E] =	sst s3  }
0xc: {  	[smem:$0x3F8F] =	sst s4  }
0xd: {  	[smem:$0x3F90] =	sst s5  }
0xe: {  	[smem:$0x3F91] =	sst s6  }
0xf: {  	[smem:$0x3F92] =	sst s7  }
0x10: {  	[smem:$0x3F93] =	sst s8  }
0x11: {  	[smem:$0x3F94] =	sst s9;
	s0 =	simm.s32 @!p0 $0x0  }
0x12: {  	s1 =	sld [smem:$0x3F7A];
	s0 =	simm.s32 @p0 $0x1  }
0x13: {  	[smem:$0x3F95] =	sst s0;
	s0 =	simm.s32 @!p1 $0x0  }
0x14: {  	s2 =	sld [smem:$0x3F79];
	s0 =	simm.s32 @p1 $0x1  }
0x15: {  	[smem:$0x3F96] =	sst s0;
	s0 =	simm.s32 @!p2 $0x0  }
0x16: {  	s3 =	sld [smem:$0x3FDB];
	s0 =	simm.s32 @p2 $0x1  }
0x17: {  	s4 =	simm.s32 $0x1BF5;
	[smem:$0x3F98] =	sst s0  }
0x18: {  	s0 =	sld [smem:$0x3F7B];
	_ =	swait.ge [sflag:s4], $0x0  }
0x19: {  	s7 =	sld [smem:$0x3F7C]  }
0x1a: {  	s8 =	sadd.s32 $0xFFFFE003, lr  }
0x1b: {  	s9 =	sadd.s32 $0xFFFFFEF7, lr;
	s5 =	simm.s32 $0xFFFFFFFF;
	p2 =	slt.u32 s8, $0xFFFFF086  }
0x1c: {  	p1 =	slt.u32 s9, $0xF7A;
	s5 =	simm.s32 @!p2 $0x0  }
0x1d: {  	s5 =	simm.s32 @p1 $0x1;
	p0 =	seq.s32 s7, s2  }
0x1e: {  	s7 =	smul.u32 @!p0 $0xF7A, s2;
	p2 =	seq.s32 @!p0 s5, $0x0  }
0x1f: {  	s9 =	smul.u32 $0xF7A, s1;
	s8 =	simm.s32 @!p0 $0x1BF5;
	p2 =	por !p2, p0  }
0x20: {  	[sflag:s8] =	ssyncset.s32 @!p0 $0xFFFFF086;
	s6 =	sadd.s32 @!p0 s3, s7;
	s7 =	simm.s32 @!p0 $0x108  }
0x21: {  	s3 =	sadd.s32 s3, s9;
	s6 =	sadd.s32 @!p0 $0x88, s6;
	s7 =	simm.s32 @p2 $0x1082  }
0x22: {  	[simem:s7], [sflag:s8] =	dma.local @!p0 [hbm:s6], $0xF7A  }
0x23: {  	s9 =	sor.u32 $0xD0000000, s2;
	s6 =	simm.s32 $0x108;
	_ =	swait.ge @!p0 [sflag:s8], $0x0  }
0x24: {  	s3 =	sadd.s32 $0x88, s3;
	s6 =	simm.s32 @!p1 $0x1082;
	[sflag:s4] =	ssyncset.s32 $0xFFFFF086  }
0x25: {  	[simem:s6], [sflag:s4] =	dma.local [hbm:s3], $0xF7A  }
0x26: {  	[smem:$0x3F7C] =	sst s1;
	(tag) =	ssettag s2;
	_ =	strace s9  }
0x27: {  	s1 =	sld [smem:$0x3F8C]  }
0x28: {  	s2 =	sld [smem:$0x3F8D]  }
0x29: {  	s4 =	sld [smem:$0x3F8F]  }
0x2a: {  	p0 =	seq.s32 s5, $0x0;
	s5 =	sld [smem:$0x3F90]  }
0x2b: {  	s6 =	sld [smem:$0x3F91]  }
0x2c: {  	s7 =	sld [smem:$0x3F92]  }
0x2d: {  	s3 =	simm.s32 $0x108;
	s8 =	sld [smem:$0x3F93]  }
0x2e: {  	s3 =	simm.s32 @!p0 $0x1082;
	s9 =	sld [smem:$0x3F94]  }
0x2f: {  	lr =	sadd.s32 s0, s3;
	s0 =	sld [smem:$0x3F8B]  }
0x30: {  	s3 =	sld [smem:$0x3F8E]  }
0x31: {  	[smem:$0x3F97] =	sst s10  }
0x32: {  	s10 =	sld [smem:$0x3F95];
	_ =	sdelay $0x3  }
0x33: {  	p0 =	seq.s32 s10, $0x1;
	s10 =	sld [smem:$0x3F97];
	_ =	sdelay $0x3  }
0x34: {  	[smem:$0x3F97] =	sst s10  }
0x35: {  	s10 =	sld [smem:$0x3F96];
	_ =	sdelay $0x3  }
0x36: {  	p1 =	seq.s32 s10, $0x1;
	s10 =	sld [smem:$0x3F97];
	_ =	sdelay $0x3  }
0x37: {  	[smem:$0x3F97] =	sst s10  }
0x38: {  	s10 =	sld [smem:$0x3F98]  }
0x39: {  	_ = 	snop;
	(pc) =	sbr.ind lr, $3  }
0x3a: {  	_ = 	snop  }
0x3b: {  	_ = 	snop  }
0x3c: {  	p2 =	seq.s32 s10, $0x1;
	s10 =	sld [smem:$0x3F97]  }
0x3d: {  	_ =	shalt  }
0x3e: {  	_ =	shalt  }
0x3f: {  	_ =	shalt  }
0x40: {  	_ =	shalt  }
0x41: {  	_ =	shalt  }
0x42: {  	_ =	shalt  }
0x43: {  	_ =	shalt  }
0x44: {  	_ =	shalt  }
0x45: {  	_ =	shalt  }
0x46: {  	_ =	shalt  }
0x47: {  	_ =	shalt  }
0x48: {  	_ =	shalt  }
0x49: {  	_ =	shalt  }
0x4a: {  	_ =	shalt  }
0x4b: {  	_ =	shalt  }
0x4c: {  	_ =	shalt  }
0x4d: {  	_ =	shalt  }
0x4e: {  	_ =	shalt  }
0x4f: {  	_ =	shalt  }
0x50: {  	_ =	shalt  }
0x51: {  	_ =	shalt  }
0x52: {  	_ =	shalt  }
0x53: {  	_ =	shalt  }
0x54: {  	_ =	shalt  }
0x55: {  	_ =	shalt  }
0x56: {  	_ =	shalt  }
0x57: {  	_ =	shalt  }
0x58: {  	_ =	shalt  }
0x59: {  	_ =	shalt  }
0x5a: {  	_ =	shalt  }
0x5b: {  	_ =	shalt  }
0x5c: {  	_ =	shalt  }
0x5d: {  	_ =	shalt  }
0x5e: {  	_ =	shalt  }
0x5f: {  	_ =	shalt  }
0x60: {  	_ =	shalt  }
0x61: {  	_ =	shalt  }
0x62: {  	_ =	shalt  }
0x63: {  	_ =	shalt  }
0x64: {  	_ =	shalt  }
0x65: {  	_ =	shalt  }
0x66: {  	_ =	shalt  }
0x67: {  	_ =	shalt  }
0x68: {  	_ =	shalt  }
0x69: {  	_ =	shalt  }
0x6a: {  	_ =	shalt  }
0x6b: {  	_ =	shalt  }
0x6c: {  	_ =	shalt  }
0x6d: {  	_ =	shalt  }
0x6e: {  	_ =	shalt  }
0x6f: {  	_ =	shalt  }
0x70: {  	_ =	shalt  }
0x71: {  	_ =	shalt  }
0x72: {  	_ =	shalt  }
0x73: {  	_ =	shalt  }
0x74: {  	_ =	shalt  }
0x75: {  	_ =	shalt  }
0x76: {  	_ =	shalt  }
0x77: {  	_ =	shalt  }
0x78: {  	_ =	shalt  }
0x79: {  	_ =	shalt  }
0x7a: {  	_ =	shalt  }
0x7b: {  	_ =	shalt  }
0x7c: {  	_ =	shalt  }
0x7d: {  	_ =	shalt  }
0x7e: {  	_ =	shalt  }
0x7f: {  	_ =	shalt  }
0x80: {  	_ =	shalt  }
0x81: {  	_ =	shalt  }
0x82: {  	_ =	shalt  }
0x83: {  	_ =	shalt  }
0x84: {  	_ =	shalt  }
0x85: {  	_ =	shalt  }
0x86: {  	_ =	shalt  }
0x87: {  	_ =	shalt  }
.Lfunc_end0:
.L_simem_size_0:
called_computation_lowered:
.L_overlay_start_0:
0x88: {  	s2 =	sld [smem:$0x3FD9]  }
0x89: {  	s3 =	sld [smem:$0x3FFE];
	_ =	sdelay $0x1  }
0x8a: {  	s1 =	srdreg.scid  }
0x8b: {  	s0 =	sand.u32 $0x1, s1  }
0x8c: {  	s14 =	sshll.u32 s0, $0xA;
	s2 =	sadd.s32 s3, s2  }
0x8d: {  	s2 =	sadd.s32 s2, s14  }
0x8e: {  	[smem:$0x3FA3] =	sst s2  }
0x8f: {  	_ = 	snop  }
0x90: {  	s2 =	sld [smem:$0x3FD0];
	_ =	sdelay $0x2  }
0x91: {  	s4 =	simm.s32 $0xA;
	s5 =	simm.s32 $0x10;
	s15 =	sld [smem:$0x3FC9]  }
0x92: {  	[smem:s5], [sflag:s4] =	dma.local [hbm:s2], $0x1  }
0x93: {  	_ =	swait.eq [sflag:s4], $0x1  }
0x94: {  	[sflag:s4] =	ssyncset.done $0x0  }
0x95: {  	[sflag:s4] =	ssyncadd.s32 $0xFFFFFFFF  }
0x96: {  	s16 =	sld [smem:$0x16];
	(tm) =	ssettm $0x1  }
0x97: {  	s17 =	sld [smem:$0x3FFB];
	_ =	sdelay $0x3  }
0x98: {  	_ =	strace s17  }
0x99: {  	s4 =	sld [smem:$0x3FFC];
	_ =	sdelay $0x3  }
0x9a: {  	_ =	strace s4  }
0x9b: {  	s4 =	sld [smem:$0x3FFD];
	_ =	sdelay $0x3  }
0x9c: {  	_ =	strace s4  }
0x9d: {  	_ =	strace $0x8FFFFFFF  }
0x9e: {  	s18 =	sld [smem:$0x3FDB];
	_ =	sdelay $0x1  }
0x9f: {  	s19 =	simm.s32 $_scs_section_size  }
0xa0: {  	s6 =	simm.s32 $_size__tile_overlayer_lowered;
	s7 =	simm.s32 $_tile_overlayer_lowered  }
0xa1: {  	s22 =	simm.s32 $0x1BFF;
	s21 =	sshll.u32 s7, $0x1;
	s4 =	sadd.s32 s19, s18  }
0xa2: {  	s8 =	simm.s32 $0x0;
	s20 =	sshll.u32 s6, $0x1;
	s6 =	sadd.s32 s21, s4  }
0xa3: {  	[timem:s8], [sflag:s22] =	dma.local [hbm:s6], s20  }
0xa4: {  	_ =	swait.ge [sflag:s22], s20  }
0xa5: {  	s5 =	ssub.s32 $0x0, s20;
	[sflag:s22] =	ssyncset.done $0x0  }
0xa6: {  	[sflag:s22] =	ssyncadd.s32 s5;
	_ =	sdelay $0x1  }
0xa7: {  	s23 =	simm.s32 $0x1B8B  }
0xa8: {  	_ =	swait.ge [sflag:s23], $0x1  }
0xa9: {  	[sflag:s23] =	ssyncset.done $0x0  }
0xaa: {  	s25 =	simm.s32 $0x1B8E;
	s24 =	sld [smem:$0x3FFE];
	[sflag:s23] =	ssyncadd.s32 $0xFFFFFFFF  }
0xab: {  	s26 =	simm.s32 $execute0_lowered;
	[smem:$0x3FD2] =	sst s25  }
0xac: {  	s6 =	sshll.u32 s26, $0x1;
	_ =	strace $0x80000046;
	[dreg:$0x1] =	wrdreg $0xFFFFFFFF  }
0xad: {  	s28 =	simm.s32 $_size_execute0_lowered;
	s4 =	sadd.s32 s4, s6;
	[dreg:$0x0] =	wrdreg $0x0  }
0xae: {  	s6 =	sshll.u32 s28, $0x1;
	[dreg:$0x2] =	wrdreg s4  }
0xaf: {  	[dreg:$0x3] =	wrdreg s6  }
0xb0: {  	[dreg:$0x4] =	wrdreg $0xC0  }
0xb1: {  	_ =	task [dreg:s8], $0x5FFFF  }
0xb2: {  	[dreg:$0x1] =	wrdreg $0xFFFFFFFF  }
0xb3: {  	[dreg:$0x0] =	wrdreg $0x60  }
0xb4: {  	[dreg:$0x2] =	wrdreg s15  }
0xb5: {  	[dreg:$0x3] =	wrdreg s16  }
0xb6: {  	[dreg:$0x4] =	wrdreg s24  }
0xb7: {  	[dreg:$0x5] =	wrdreg $0x9  }
0xb8: {  	_ =	task.clear_ibuf [dreg:s8], $0x6FFFF;
	_ =	strace $0x90000046  }
0xb9: {  	s29 =	simm.s32 $0x9;
	_ =	strace $0x80000048  }
0xba: {  	_ =	swait.ge [sflag:s29], $0x1  }
0xbb: {  	[sflag:s29] =	ssyncadd.s32 $0xFFFFFFFF  }
0xbc: {  	_ =	strace $0x90000048  }
0xbd: {  	_ =	sfence  }
0xbe: {  	s30 =	sld [smem:$0x0];
	_ =	sdelay $0x2  }
0xbf: {  	s31 =	sshll.u32 s1, $0xD;
	s1 =	sshrl.u32 s1, $0x2  }
0xc0: {  	s3 =	sand.u32 $0x4000, s31;
	s1 =	sadd.s32 s1, s30  }
0xc1: {  	s0 =	sor.u32 s3, s0;
	s1 =	sshll.u32 s1, $0x11  }
0xc2: {  	s0 =	sor.u32 s1, s0  }
0xc3: {  	s0 =	sadd.s32 $0x8F2B, s0  }
0xc4: {  	[sflag:s0] =	ssyncadd.remote.s32 $0x1  }
0xc5: {  	_ =	sfence.sel $0xFFFF  }
0xc6: {  	[dreg:$0x0] =	wrdreg $0xFFFFFFFF;
	(pc) =	sbr.abs _section_cstart, $3  }
0xc7: {  	[dreg:$0x1] =	wrdreg $0xFFFFFFFF  }
0xc8: {  	_ =	task.clear_ibuf [dreg:s8], $0x2FFFF;
	_ =	strace $0x9FFFFFFF  }
0xc9: {  	(tm) =	ssettm $0x7FFFFFFF  }
tec
execute0_lowered:
.L_overlay_start_1:
0x0: {  	(tag) =	ssettag $0x1  }
0x1: {  	s1 =	rddreg [dreg:$0x0]  }
0x2: {  	s0 =	srdreg.scid;
	s2 =	rddreg [dreg:$0x1]  }
0x3: {  	s3 =	stileid.u32;
	s4 =	rddreg [dreg:$0x2]  }
0x4: {  	s13 =	simm.s32 $0x2;
	s15 =	simm.s32 $0xA00;
	s16 =	simm.s32 $0x1200  }
0x5: {  	s17 =	simm.s32 $0x1A00;
	s18 =	simm.s32 $0x2200;
	s19 =	simm.s32 $0x2A00  }
0x6: {  	s20 =	simm.s32 $0x3200;
	s21 =	simm.s32 $0x3A00;
	s28 =	simm.s32 $0x6200  }
0x7: {  	s29 =	simm.s32 $0x6A00;
	s30 =	simm.s32 $0x7200;
	s31 =	simm.s32 $0x7A00  }
0x8: {  	s7 =	simm.s32 $0x9A00;
	s8 =	simm.s32 $0xA200;
	s9 =	simm.s32 $0xAA00  }
0x9: {  	s10 =	simm.s32 $0xB200;
	s11 =	simm.s32 $0xBA00;
	s0 =	sand.u32 $0x1, s0  }
0xa: {  	s5 =	sshll.u32 s3, $0xA;
	s3 =	simm.s32 $0x0;
	s6 =	sshll.u32 s0, $0x9  }
0xb: {  	[smem:$0x7FF] =	sst s3;
	s0 =	ssub.s32 $0x2, s0;
	s5 =	sor.u32 s6, s5  }
0xc: {  	_ =	strace $0x80000047;
	s6 =	sshll.u32 s5, $0x5;
	s5 =	sshrl.u32 s5, $0x3  }
0xd: {  	s25 =	sshrl.u32 s0, $0x1;
	s4 =	sadd.s32 s6, s4;
	s2 =	sadd.s32 s2, s5  }
0xe: {  	s0 =	ssub.s32 s0, s25;
	[dreg:$0x4] =	wrdreg s2;
	s22 =	sadd.s32 $0x3E00, s4  }
0xf: {  	s25 =	simm.s32 $0x5200;
	s23 =	sadd.s32 $0x4E00, s4;
	[dreg:$0x5] =	wrdreg s22  }
0x10: {  	s5 =	simm.s32 $0x3;
	s24 =	sadd.s32 $0x5E00, s4;
	[dreg:$0x6] =	wrdreg s23  }
0x11: {  	v2 =	vlaneseq.u32;
	s26 =	sadd.s32 $0x6E00, s4;
	s4 =	smax.u32 s0, $0x1;
	[dreg:$0x7] =	wrdreg s24  }
0x12: {  	vm0 =	vmmov $0xffff;
	v1 =	vshrl.u32 v2, $0x3;
	s2 =	simm.s32 $0x1;
	[dreg:$0x8] =	wrdreg s26;
	s23 =	simm.s32 $0x4200  }
0x13: {  	v0 =	vand.u32 $0x7, v2;
	v2 =	vor.u32 $0x8, v2;
	v1 =	vmul.u32 $0x8, v1;
	s24 =	simm.s32 $0x4A00;
	s26 =	simm.s32 $0x5A00;
	s22 =	simm.s32 $0x9200  }
.LBB2_1:
0x14: {  	s14 =	rddreg [dreg:$0x4]  }
0x15: {  	[tilespmem:s3], [sflag:$0x3] =	stream.linear.gather [hbm4b:s14+s3], $0x200, $0x38;
	[tilespmem:$0x10200] =	vst v63  }
0x16: {  	_ =	swait.ge [sflag:s5], $0x200  }
0x17: {  	[sflag:s5] =	ssyncset.done $0x0  }
0x18: {  	[sflag:s5] =	ssyncadd.s32 $0xFFFFFE00  }
0x19: {  	v3 =	vld [tilespmem:$0x0];
	_ =	sdelay $0x4  }
0x1a: {  	v4 =	vshll.u32 v3, $0x1  }
0x1b: {  	v3 =	vand.u32 $0x7, v3;
	v4 =	vand.u32 $0xFFFFFFF0, v4  }
0x1c: {  	v3 =	vor.u32 v3, v4  }
0x1d: {  	v4 =	vperm.xlane v3, v0;
	_ =	sdelay $0x1  }
0x1e: {  	v3 =	vperm.xlane v3, v2;
	v4 =	vadd.s32 v1, v4;
	_ =	sdelay $0x1  }
0x1f: {  	v3 =	vadd.s32 v1, v3;
	_ =	sdelay $0x1  }
0x20: {  	s0 =	simm.s32 $0x200  }
0x21: {  	[tilespmem:s0], [sflag:$0x1] =	stream.indirect_vreg.gather [hbm4b:s1+s3], $0x80, v4, vm0, $0xb8;
	[tilespmem:$0x10200] =	vst v63  }
0x22: {  	_ = 	snop  }
0x23: {  	[tilespmem:s15], [sflag:$0x1] =	stream.indirect_vreg.gather [hbm4b:s1+s3], $0x80, v3, vm0, $0xb8;
	[tilespmem:$0x10200] =	vst v63  }
0x24: {  	v3 =	vld [tilespmem:$0x10];
	_ =	sdelay $0x4  }
0x25: {  	v33 =	vshll.u32 v3, $0x1  }
0x26: {  	v3 =	vand.u32 $0x7, v3;
	v4 =	vand.u32 $0xFFFFFFF0, v33  }
0x27: {  	v3 =	vor.u32 v3, v4  }
0x28: {  	v4 =	vperm.xlane v3, v0;
	_ =	sdelay $0x1  }
0x29: {  	v3 =	vperm.xlane v3, v2;
	v4 =	vadd.s32 v1, v4;
	_ =	sdelay $0x1  }
0x2a: {  	v3 =	vadd.s32 v1, v3;
	_ =	sdelay $0x2  }
0x2b: {  	[tilespmem:s16], [sflag:$0x1] =	stream.indirect_vreg.gather [hbm4b:s1+s3], $0x80, v4, vm0, $0xb8;
	[tilespmem:$0x10200] =	vst v63  }
0x2c: {  	_ = 	snop  }
0x2d: {  	[tilespmem:s17], [sflag:$0x1] =	stream.indirect_vreg.gather [hbm4b:s1+s3], $0x80, v3, vm0, $0xb8;
	[tilespmem:$0x10200] =	vst v63  }
0x2e: {  	v3 =	vld [tilespmem:$0x20];
	_ =	sdelay $0x4  }
0x2f: {  	v34 =	vshll.u32 v3, $0x1  }
0x30: {  	v3 =	vand.u32 $0x7, v3;
	v4 =	vand.u32 $0xFFFFFFF0, v34  }
0x31: {  	v3 =	vor.u32 v3, v4  }
0x32: {  	v4 =	vperm.xlane v3, v0;
	_ =	sdelay $0x1  }
0x33: {  	v3 =	vperm.xlane v3, v2;
	v4 =	vadd.s32 v1, v4;
	_ =	sdelay $0x1  }
0x34: {  	v3 =	vadd.s32 v1, v3;
	_ =	sdelay $0x2  }
0x35: {  	[tilespmem:s18], [sflag:$0x1] =	stream.indirect_vreg.gather [hbm4b:s1+s3], $0x80, v4, vm0, $0xb8;
	[tilespmem:$0x10200] =	vst v63  }
0x36: {  	_ = 	snop  }
0x37: {  	[tilespmem:s19], [sflag:$0x1] =	stream.indirect_vreg.gather [hbm4b:s1+s3], $0x80, v3, vm0, $0xb8;
	[tilespmem:$0x10200] =	vst v63  }
0x38: {  	v3 =	vld [tilespmem:$0x30];
	_ =	sdelay $0x4  }
0x39: {  	v35 =	vshll.u32 v3, $0x1  }
0x3a: {  	v3 =	vand.u32 $0x7, v3;
	v4 =	vand.u32 $0xFFFFFFF0, v35  }
0x3b: {  	v3 =	vor.u32 v3, v4  }
0x3c: {  	v4 =	vperm.xlane v3, v0;
	_ =	sdelay $0x1  }
0x3d: {  	v3 =	vperm.xlane v3, v2;
	v4 =	vadd.s32 v1, v4;
	_ =	sdelay $0x1  }
0x3e: {  	v3 =	vadd.s32 v1, v3;
	_ =	sdelay $0x2  }
0x3f: {  	[tilespmem:s20], [sflag:$0x1] =	stream.indirect_vreg.gather [hbm4b:s1+s3], $0x80, v4, vm0, $0xb8;
	[tilespmem:$0x10200] =	vst v63  }
0x40: {  	_ = 	snop  }
0x41: {  	[tilespmem:s21], [sflag:$0x1] =	stream.indirect_vreg.gather [hbm4b:s1+s3], $0x80, v3, vm0, $0xb8;
	[tilespmem:$0x10200] =	vst v63  }
0x42: {  	v3 =	vld [tilespmem:$0x40];
	_ =	sdelay $0x4  }
0x43: {  	v36 =	vshll.u32 v3, $0x1  }
0x44: {  	v3 =	vand.u32 $0x7, v3;
	v4 =	vand.u32 $0xFFFFFFF0, v36  }
0x45: {  	v3 =	vor.u32 v3, v4  }
0x46: {  	v4 =	vperm.xlane v3, v0;
	_ =	sdelay $0x1  }
0x47: {  	v3 =	vperm.xlane v3, v2;
	v4 =	vadd.s32 v1, v4;
	_ =	sdelay $0x1  }
0x48: {  	v3 =	vadd.s32 v1, v3;
	_ =	sdelay $0x2  }
0x49: {  	[tilespmem:s23], [sflag:$0x1] =	stream.indirect_vreg.gather [hbm4b:s1+s3], $0x80, v4, vm0, $0xb8;
	[tilespmem:$0x10200] =	vst v63  }
0x4a: {  	_ = 	snop  }
0x4b: {  	[tilespmem:s24], [sflag:$0x1] =	stream.indirect_vreg.gather [hbm4b:s1+s3], $0x80, v3, vm0, $0xb8;
	[tilespmem:$0x10200] =	vst v63  }
0x4c: {  	v3 =	vld [tilespmem:$0x50];
	_ =	sdelay $0x4  }
0x4d: {  	v37 =	vshll.u32 v3, $0x1  }
0x4e: {  	v3 =	vand.u32 $0x7, v3;
	v4 =	vand.u32 $0xFFFFFFF0, v37  }
0x4f: {  	v3 =	vor.u32 v3, v4  }
0x50: {  	v4 =	vperm.xlane v3, v0;
	_ =	sdelay $0x1  }
0x51: {  	v3 =	vperm.xlane v3, v2;
	v4 =	vadd.s32 v1, v4;
	_ =	sdelay $0x1  }
0x52: {  	v3 =	vadd.s32 v1, v3;
	_ =	sdelay $0x2  }
0x53: {  	[tilespmem:s25], [sflag:$0x1] =	stream.indirect_vreg.gather [hbm4b:s1+s3], $0x80, v4, vm0, $0xb8;
	[tilespmem:$0x10200] =	vst v63  }
0x54: {  	_ = 	snop  }
0x55: {  	[tilespmem:s26], [sflag:$0x1] =	stream.indirect_vreg.gather [hbm4b:s1+s3], $0x80, v3, vm0, $0xb8;
	[tilespmem:$0x10200] =	vst v63  }
0x56: {  	v3 =	vld [tilespmem:$0x60];
	_ =	sdelay $0x4  }
0x57: {  	v38 =	vshll.u32 v3, $0x1  }
0x58: {  	v3 =	vand.u32 $0x7, v3;
	v4 =	vand.u32 $0xFFFFFFF0, v38  }
0x59: {  	v3 =	vor.u32 v3, v4  }
0x5a: {  	v4 =	vperm.xlane v3, v0;
	_ =	sdelay $0x1  }
0x5b: {  	v3 =	vperm.xlane v3, v2;
	v4 =	vadd.s32 v1, v4;
	_ =	sdelay $0x1  }
0x5c: {  	v3 =	vadd.s32 v1, v3;
	_ =	sdelay $0x2  }
0x5d: {  	[tilespmem:s28], [sflag:$0x1] =	stream.indirect_vreg.gather [hbm4b:s1+s3], $0x80, v4, vm0, $0xb8;
	[tilespmem:$0x10200] =	vst v63  }
0x5e: {  	_ = 	snop  }
0x5f: {  	[tilespmem:s29], [sflag:$0x1] =	stream.indirect_vreg.gather [hbm4b:s1+s3], $0x80, v3, vm0, $0xb8;
	[tilespmem:$0x10200] =	vst v63  }
0x60: {  	v3 =	vld [tilespmem:$0x70];
	_ =	sdelay $0x4  }
0x61: {  	v39 =	vshll.u32 v3, $0x1  }
0x62: {  	v3 =	vand.u32 $0x7, v3;
	v4 =	vand.u32 $0xFFFFFFF0, v39  }
0x63: {  	v3 =	vor.u32 v3, v4  }
0x64: {  	v4 =	vperm.xlane v3, v0;
	_ =	sdelay $0x1  }
0x65: {  	v3 =	vperm.xlane v3, v2;
	v4 =	vadd.s32 v1, v4;
	_ =	sdelay $0x1  }
0x66: {  	v3 =	vadd.s32 v1, v3;
	_ =	sdelay $0x2  }
0x67: {  	[tilespmem:s30], [sflag:$0x1] =	stream.indirect_vreg.gather [hbm4b:s1+s3], $0x80, v4, vm0, $0xb8;
	[tilespmem:$0x10200] =	vst v63  }
0x68: {  	_ = 	snop  }
0x69: {  	[tilespmem:s31], [sflag:$0x1] =	stream.indirect_vreg.gather [hbm4b:s1+s3], $0x80, v3, vm0, $0xb8;
	[tilespmem:$0x10200] =	vst v63  }
0x6a: {  	v3 =	vld [tilespmem:$0x80];
	_ =	sdelay $0x4  }
0x6b: {  	v40 =	vshll.u32 v3, $0x1  }
0x6c: {  	v3 =	vand.u32 $0x7, v3;
	v4 =	vand.u32 $0xFFFFFFF0, v40  }
0x6d: {  	v3 =	vor.u32 v3, v4  }
0x6e: {  	v4 =	vperm.xlane v3, v0;
	_ =	sdelay $0x1  }
0x6f: {  	v3 =	vperm.xlane v3, v2;
	v4 =	vadd.s32 v1, v4;
	_ =	sdelay $0x1  }
0x70: {  	v3 =	vadd.s32 v1, v3;
	_ =	sdelay $0x1  }
0x71: {  	s0 =	simm.s32 $0x8200  }
0x72: {  	[tilespmem:s0], [sflag:$0x2] =	stream.indirect_vreg.gather [hbm4b:s1+s3], $0x80, v4, vm0, $0xb8;
	[tilespmem:$0x10200] =	vst v63  }
0x73: {  	s6 =	simm.s32 $0x8A00  }
0x74: {  	[tilespmem:s6], [sflag:$0x2] =	stream.indirect_vreg.gather [hbm4b:s1+s3], $0x80, v3, vm0, $0xb8;
	[tilespmem:$0x10200] =	vst v63  }
0x75: {  	v3 =	vld [tilespmem:$0x90];
	_ =	sdelay $0x4  }
0x76: {  	v41 =	vshll.u32 v3, $0x1  }
0x77: {  	v3 =	vand.u32 $0x7, v3;
	v4 =	vand.u32 $0xFFFFFFF0, v41  }
0x78: {  	v3 =	vor.u32 v3, v4  }
0x79: {  	v4 =	vperm.xlane v3, v0;
	_ =	sdelay $0x1  }
0x7a: {  	v3 =	vperm.xlane v3, v2;
	v4 =	vadd.s32 v1, v4;
	_ =	sdelay $0x1  }
0x7b: {  	v3 =	vadd.s32 v1, v3;
	_ =	sdelay $0x2  }
0x7c: {  	[tilespmem:s22], [sflag:$0x2] =	stream.indirect_vreg.gather [hbm4b:s1+s3], $0x80, v4, vm0, $0xb8;
	[tilespmem:$0x10200] =	vst v63  }
0x7d: {  	_ = 	snop  }
0x7e: {  	[tilespmem:s7], [sflag:$0x2] =	stream.indirect_vreg.gather [hbm4b:s1+s3], $0x80, v3, vm0, $0xb8;
	[tilespmem:$0x10200] =	vst v63  }
0x7f: {  	v3 =	vld [tilespmem:$0xA0];
	_ =	sdelay $0x4  }
0x80: {  	v42 =	vshll.u32 v3, $0x1  }
0x81: {  	v3 =	vand.u32 $0x7, v3;
	v4 =	vand.u32 $0xFFFFFFF0, v42  }
0x82: {  	v3 =	vor.u32 v3, v4  }
0x83: {  	v4 =	vperm.xlane v3, v0;
	_ =	sdelay $0x1  }
0x84: {  	v3 =	vperm.xlane v3, v2;
	v4 =	vadd.s32 v1, v4;
	_ =	sdelay $0x1  }
0x85: {  	v3 =	vadd.s32 v1, v3;
	_ =	sdelay $0x2  }
0x86: {  	[tilespmem:s8], [sflag:$0x2] =	stream.indirect_vreg.gather [hbm4b:s1+s3], $0x80, v4, vm0, $0xb8;
	[tilespmem:$0x10200] =	vst v63  }
0x87: {  	_ = 	snop  }
0x88: {  	[tilespmem:s9], [sflag:$0x2] =	stream.indirect_vreg.gather [hbm4b:s1+s3], $0x80, v3, vm0, $0xb8;
	[tilespmem:$0x10200] =	vst v63  }
0x89: {  	v3 =	vld [tilespmem:$0xB0];
	_ =	sdelay $0x4  }
0x8a: {  	v43 =	vshll.u32 v3, $0x1  }
0x8b: {  	v3 =	vand.u32 $0x7, v3;
	v4 =	vand.u32 $0xFFFFFFF0, v43  }
0x8c: {  	v3 =	vor.u32 v3, v4  }
0x8d: {  	v4 =	vperm.xlane v3, v0;
	_ =	sdelay $0x1  }
0x8e: {  	v3 =	vperm.xlane v3, v2;
	v4 =	vadd.s32 v1, v4;
	_ =	sdelay $0x1  }
0x8f: {  	v3 =	vadd.s32 v1, v3;
	_ =	sdelay $0x2  }
0x90: {  	[tilespmem:s10], [sflag:$0x2] =	stream.indirect_vreg.gather [hbm4b:s1+s3], $0x80, v4, vm0, $0xb8;
	[tilespmem:$0x10200] =	vst v63  }
0x91: {  	_ = 	snop  }
0x92: {  	[tilespmem:s11], [sflag:$0x2] =	stream.indirect_vreg.gather [hbm4b:s1+s3], $0x80, v3, vm0, $0xb8;
	[tilespmem:$0x10200] =	vst v63  }
0x93: {  	v3 =	vld [tilespmem:$0xC0];
	_ =	sdelay $0x4  }
0x94: {  	v44 =	vshll.u32 v3, $0x1  }
0x95: {  	v3 =	vand.u32 $0x7, v3;
	v4 =	vand.u32 $0xFFFFFFF0, v44  }
0x96: {  	v3 =	vor.u32 v3, v4  }
0x97: {  	v4 =	vperm.xlane v3, v0;
	_ =	sdelay $0x1  }
0x98: {  	v3 =	vperm.xlane v3, v2;
	v4 =	vadd.s32 v1, v4;
	_ =	sdelay $0x1  }
0x99: {  	v3 =	vadd.s32 v1, v3;
	_ =	sdelay $0x1  }
0x9a: {  	s6 =	simm.s32 $0xC200  }
0x9b: {  	[tilespmem:s6], [sflag:$0x2] =	stream.indirect_vreg.gather [hbm4b:s1+s3], $0x80, v4, vm0, $0xb8;
	[tilespmem:$0x10200] =	vst v63  }
0x9c: {  	s12 =	simm.s32 $0xCA00  }
0x9d: {  	[tilespmem:s12], [sflag:$0x2] =	stream.indirect_vreg.gather [hbm4b:s1+s3], $0x80, v3, vm0, $0xb8;
	[tilespmem:$0x10200] =	vst v63  }
0x9e: {  	v3 =	vld [tilespmem:$0xD0];
	_ =	sdelay $0x4  }
0x9f: {  	v45 =	vshll.u32 v3, $0x1  }
0xa0: {  	v3 =	vand.u32 $0x7, v3;
	v4 =	vand.u32 $0xFFFFFFF0, v45  }
0xa1: {  	v3 =	vor.u32 v3, v4  }
0xa2: {  	v4 =	vperm.xlane v3, v0;
	_ =	sdelay $0x1  }
0xa3: {  	v3 =	vperm.xlane v3, v2;
	v4 =	vadd.s32 v1, v4;
	_ =	sdelay $0x1  }
0xa4: {  	v3 =	vadd.s32 v1, v3;
	_ =	sdelay $0x1  }
0xa5: {  	s14 =	simm.s32 $0xD200  }
0xa6: {  	[tilespmem:s14], [sflag:$0x2] =	stream.indirect_vreg.gather [hbm4b:s1+s3], $0x80, v4, vm0, $0xb8;
	[tilespmem:$0x10200] =	vst v63  }
0xa7: {  	s14 =	simm.s32 $0xDA00  }
0xa8: {  	[tilespmem:s14], [sflag:$0x2] =	stream.indirect_vreg.gather [hbm4b:s1+s3], $0x80, v3, vm0, $0xb8;
	[tilespmem:$0x10200] =	vst v63  }
0xa9: {  	v3 =	vld [tilespmem:$0xE0];
	_ =	sdelay $0x4  }
0xaa: {  	v46 =	vshll.u32 v3, $0x1  }
0xab: {  	v3 =	vand.u32 $0x7, v3;
	v4 =	vand.u32 $0xFFFFFFF0, v46  }
0xac: {  	v3 =	vor.u32 v3, v4  }
0xad: {  	v4 =	vperm.xlane v3, v0;
	_ =	sdelay $0x1  }
0xae: {  	v3 =	vperm.xlane v3, v2;
	v4 =	vadd.s32 v1, v4;
	_ =	sdelay $0x1  }
0xaf: {  	v3 =	vadd.s32 v1, v3;
	_ =	sdelay $0x1  }
0xb0: {  	s14 =	simm.s32 $0xE200  }
0xb1: {  	[tilespmem:s14], [sflag:$0x2] =	stream.indirect_vreg.gather [hbm4b:s1+s3], $0x80, v4, vm0, $0xb8;
	[tilespmem:$0x10200] =	vst v63  }
0xb2: {  	s14 =	simm.s32 $0xEA00  }
0xb3: {  	[tilespmem:s14], [sflag:$0x2] =	stream.indirect_vreg.gather [hbm4b:s1+s3], $0x80, v3, vm0, $0xb8;
	[tilespmem:$0x10200] =	vst v63  }
0xb4: {  	v3 =	vld [tilespmem:$0xF0];
	_ =	sdelay $0x4  }
0xb5: {  	v47 =	vshll.u32 v3, $0x1  }
0xb6: {  	v3 =	vand.u32 $0x7, v3;
	v4 =	vand.u32 $0xFFFFFFF0, v47  }
0xb7: {  	v3 =	vor.u32 v3, v4  }
0xb8: {  	v4 =	vperm.xlane v3, v0;
	_ =	sdelay $0x1  }
0xb9: {  	v3 =	vperm.xlane v3, v2;
	v4 =	vadd.s32 v1, v4;
	_ =	sdelay $0x1  }
0xba: {  	v3 =	vadd.s32 v1, v3;
	_ =	sdelay $0x1  }
0xbb: {  	s14 =	simm.s32 $0xF200  }
0xbc: {  	[tilespmem:s14], [sflag:$0x2] =	stream.indirect_vreg.gather [hbm4b:s1+s3], $0x80, v4, vm0, $0xb8;
	[tilespmem:$0x10200] =	vst v63  }
0xbd: {  	s14 =	simm.s32 $0xFA00  }
0xbe: {  	[tilespmem:s14], [sflag:$0x2] =	stream.indirect_vreg.gather [hbm4b:s1+s3], $0x80, v3, vm0, $0xb8;
	[tilespmem:$0x10200] =	vst v63  }
0xbf: {  	_ =	swait.ge [sflag:s2], $0x8000  }
0xc0: {  	[sflag:s2] =	ssyncset.done $0x0  }
0xc1: {  	s12 =	simm.s32 $0x200;
	s14 =	rddreg [dreg:$0x5];
	[sflag:s2] =	ssyncadd.s32 $0xFFFF8000  }
0xc2: {  	[hbm4b:s14+s3] =	stream.linear.scatter [tilespmem:s12], [sflag:$0x3], $0x8000, $0x38;
	[tilespmem:$0x10200] =	vst v63  }
0xc3: {  	_ =	swait.ge [sflag:s5], $0x8000  }
0xc4: {  	[sflag:s5] =	ssyncset.done $0x0  }
0xc5: {  	[sflag:s5] =	ssyncadd.s32 $0xFFFF8000  }
0xc6: {  	v3 =	vld [tilespmem:$0x100];
	_ =	sdelay $0x4  }
0xc7: {  	v48 =	vshll.u32 v3, $0x1  }
0xc8: {  	v3 =	vand.u32 $0x7, v3;
	v4 =	vand.u32 $0xFFFFFFF0, v48  }
0xc9: {  	v3 =	vor.u32 v3, v4  }
0xca: {  	v4 =	vperm.xlane v3, v0;
	_ =	sdelay $0x1  }
0xcb: {  	v3 =	vperm.xlane v3, v2;
	v4 =	vadd.s32 v1, v4;
	_ =	sdelay $0x1  }
0xcc: {  	v3 =	vadd.s32 v1, v3;
	_ =	sdelay $0x2  }
0xcd: {  	[tilespmem:s12], [sflag:$0x1] =	stream.indirect_vreg.gather [hbm4b:s1+s3], $0x80, v4, vm0, $0xb8;
	[tilespmem:$0x10200] =	vst v63  }
0xce: {  	_ = 	snop  }
0xcf: {  	[tilespmem:s15], [sflag:$0x1] =	stream.indirect_vreg.gather [hbm4b:s1+s3], $0x80, v3, vm0, $0xb8;
	[tilespmem:$0x10200] =	vst v63  }
0xd0: {  	v3 =	vld [tilespmem:$0x110];
	_ =	sdelay $0x4  }
0xd1: {  	v49 =	vshll.u32 v3, $0x1  }
0xd2: {  	v3 =	vand.u32 $0x7, v3;
	v4 =	vand.u32 $0xFFFFFFF0, v49  }
0xd3: {  	v3 =	vor.u32 v3, v4  }
0xd4: {  	v4 =	vperm.xlane v3, v0;
	_ =	sdelay $0x1  }
0xd5: {  	v3 =	vperm.xlane v3, v2;
	v4 =	vadd.s32 v1, v4;
	_ =	sdelay $0x1  }
0xd6: {  	v3 =	vadd.s32 v1, v3;
	_ =	sdelay $0x2  }
0xd7: {  	[tilespmem:s16], [sflag:$0x1] =	stream.indirect_vreg.gather [hbm4b:s1+s3], $0x80, v4, vm0, $0xb8;
	[tilespmem:$0x10200] =	vst v63  }
0xd8: {  	_ = 	snop  }
0xd9: {  	[tilespmem:s17], [sflag:$0x1] =	stream.indirect_vreg.gather [hbm4b:s1+s3], $0x80, v3, vm0, $0xb8;
	[tilespmem:$0x10200] =	vst v63  }
0xda: {  	v3 =	vld [tilespmem:$0x120];
	_ =	sdelay $0x4  }
0xdb: {  	v50 =	vshll.u32 v3, $0x1  }
0xdc: {  	v3 =	vand.u32 $0x7, v3;
	v4 =	vand.u32 $0xFFFFFFF0, v50  }
0xdd: {  	v3 =	vor.u32 v3, v4  }
0xde: {  	v4 =	vperm.xlane v3, v0;
	_ =	sdelay $0x1  }
0xdf: {  	v3 =	vperm.xlane v3, v2;
	v4 =	vadd.s32 v1, v4;
	_ =	sdelay $0x1  }
0xe0: {  	v3 =	vadd.s32 v1, v3;
	_ =	sdelay $0x2  }
0xe1: {  	[tilespmem:s18], [sflag:$0x1] =	stream.indirect_vreg.gather [hbm4b:s1+s3], $0x80, v4, vm0, $0xb8;
	[tilespmem:$0x10200] =	vst v63  }
0xe2: {  	_ = 	snop  }
0xe3: {  	[tilespmem:s19], [sflag:$0x1] =	stream.indirect_vreg.gather [hbm4b:s1+s3], $0x80, v3, vm0, $0xb8;
	[tilespmem:$0x10200] =	vst v63  }
0xe4: {  	v3 =	vld [tilespmem:$0x130];
	_ =	sdelay $0x4  }
0xe5: {  	v51 =	vshll.u32 v3, $0x1  }
0xe6: {  	v3 =	vand.u32 $0x7, v3;
	v4 =	vand.u32 $0xFFFFFFF0, v51  }
0xe7: {  	v3 =	vor.u32 v3, v4  }
0xe8: {  	v4 =	vperm.xlane v3, v0;
	_ =	sdelay $0x1  }
0xe9: {  	v3 =	vperm.xlane v3, v2;
	v4 =	vadd.s32 v1, v4;
	_ =	sdelay $0x1  }
0xea: {  	v3 =	vadd.s32 v1, v3;
	_ =	sdelay $0x2  }
0xeb: {  	[tilespmem:s20], [sflag:$0x1] =	stream.indirect_vreg.gather [hbm4b:s1+s3], $0x80, v4, vm0, $0xb8;
	[tilespmem:$0x10200] =	vst v63  }
0xec: {  	_ = 	snop  }
0xed: {  	[tilespmem:s21], [sflag:$0x1] =	stream.indirect_vreg.gather [hbm4b:s1+s3], $0x80, v3, vm0, $0xb8;
	[tilespmem:$0x10200] =	vst v63  }
0xee: {  	v3 =	vld [tilespmem:$0x140];
	_ =	sdelay $0x4  }
0xef: {  	v52 =	vshll.u32 v3, $0x1  }
0xf0: {  	v3 =	vand.u32 $0x7, v3;
	v4 =	vand.u32 $0xFFFFFFF0, v52  }
0xf1: {  	v3 =	vor.u32 v3, v4  }
0xf2: {  	v4 =	vperm.xlane v3, v0;
	_ =	sdelay $0x1  }
0xf3: {  	v3 =	vperm.xlane v3, v2;
	v4 =	vadd.s32 v1, v4;
	_ =	sdelay $0x1  }
0xf4: {  	v3 =	vadd.s32 v1, v3;
	_ =	sdelay $0x2  }
0xf5: {  	[tilespmem:s23], [sflag:$0x1] =	stream.indirect_vreg.gather [hbm4b:s1+s3], $0x80, v4, vm0, $0xb8;
	[tilespmem:$0x10200] =	vst v63  }
0xf6: {  	_ = 	snop  }
0xf7: {  	[tilespmem:s24], [sflag:$0x1] =	stream.indirect_vreg.gather [hbm4b:s1+s3], $0x80, v3, vm0, $0xb8;
	[tilespmem:$0x10200] =	vst v63  }
0xf8: {  	v3 =	vld [tilespmem:$0x150];
	_ =	sdelay $0x4  }
0xf9: {  	v53 =	vshll.u32 v3, $0x1  }
0xfa: {  	v3 =	vand.u32 $0x7, v3;
	v4 =	vand.u32 $0xFFFFFFF0, v53  }
0xfb: {  	v3 =	vor.u32 v3, v4  }
0xfc: {  	v4 =	vperm.xlane v3, v0;
	_ =	sdelay $0x1  }
0xfd: {  	v3 =	vperm.xlane v3, v2;
	v4 =	vadd.s32 v1, v4;
	_ =	sdelay $0x1  }
0xfe: {  	v3 =	vadd.s32 v1, v3;
	_ =	sdelay $0x2  }
0xff: {  	[tilespmem:s25], [sflag:$0x1] =	stream.indirect_vreg.gather [hbm4b:s1+s3], $0x80, v4, vm0, $0xb8;
	[tilespmem:$0x10200] =	vst v63  }
0x100: {  	_ = 	snop  }
0x101: {  	[tilespmem:s26], [sflag:$0x1] =	stream.indirect_vreg.gather [hbm4b:s1+s3], $0x80, v3, vm0, $0xb8;
	[tilespmem:$0x10200] =	vst v63  }
0x102: {  	v3 =	vld [tilespmem:$0x160];
	_ =	sdelay $0x4  }
0x103: {  	v54 =	vshll.u32 v3, $0x1  }
0x104: {  	v3 =	vand.u32 $0x7, v3;
	v4 =	vand.u32 $0xFFFFFFF0, v54  }
0x105: {  	v3 =	vor.u32 v3, v4  }
0x106: {  	v4 =	vperm.xlane v3, v0;
	_ =	sdelay $0x1  }
0x107: {  	v3 =	vperm.xlane v3, v2;
	v4 =	vadd.s32 v1, v4;
	_ =	sdelay $0x1  }
0x108: {  	v3 =	vadd.s32 v1, v3;
	_ =	sdelay $0x2  }
0x109: {  	[tilespmem:s28], [sflag:$0x1] =	stream.indirect_vreg.gather [hbm4b:s1+s3], $0x80, v4, vm0, $0xb8;
	[tilespmem:$0x10200] =	vst v63  }
0x10a: {  	_ = 	snop  }
0x10b: {  	[tilespmem:s29], [sflag:$0x1] =	stream.indirect_vreg.gather [hbm4b:s1+s3], $0x80, v3, vm0, $0xb8;
	[tilespmem:$0x10200] =	vst v63  }
0x10c: {  	v3 =	vld [tilespmem:$0x170];
	_ =	sdelay $0x4  }
0x10d: {  	v55 =	vshll.u32 v3, $0x1  }
0x10e: {  	v3 =	vand.u32 $0x7, v3;
	v4 =	vand.u32 $0xFFFFFFF0, v55  }
0x10f: {  	v3 =	vor.u32 v3, v4  }
0x110: {  	v4 =	vperm.xlane v3, v0;
	_ =	sdelay $0x1  }
0x111: {  	v3 =	vperm.xlane v3, v2;
	v4 =	vadd.s32 v1, v4;
	_ =	sdelay $0x1  }
0x112: {  	v3 =	vadd.s32 v1, v3;
	_ =	sdelay $0x2  }
0x113: {  	[tilespmem:s30], [sflag:$0x1] =	stream.indirect_vreg.gather [hbm4b:s1+s3], $0x80, v4, vm0, $0xb8;
	[tilespmem:$0x10200] =	vst v63  }
0x114: {  	_ = 	snop  }
0x115: {  	[tilespmem:s31], [sflag:$0x1] =	stream.indirect_vreg.gather [hbm4b:s1+s3], $0x80, v3, vm0, $0xb8;
	[tilespmem:$0x10200] =	vst v63  }
0x116: {  	_ =	swait.ge [sflag:s13], $0x8000  }
0x117: {  	[sflag:s13] =	ssyncset.done $0x0  }
0x118: {  	s12 =	rddreg [dreg:$0x6];
	[sflag:s13] =	ssyncadd.s32 $0xFFFF8000  }
0x119: {  	[hbm4b:s12+s3] =	stream.linear.scatter [tilespmem:s0], [sflag:$0x3], $0x8000, $0x38;
	[tilespmem:$0x10200] =	vst v63  }
0x11a: {  	_ =	swait.ge [sflag:s5], $0x8000  }
0x11b: {  	[sflag:s5] =	ssyncset.done $0x0  }
0x11c: {  	[sflag:s5] =	ssyncadd.s32 $0xFFFF8000  }
0x11d: {  	v3 =	vld [tilespmem:$0x180];
	_ =	sdelay $0x4  }
0x11e: {  	v56 =	vshll.u32 v3, $0x1  }
0x11f: {  	v3 =	vand.u32 $0x7, v3;
	v4 =	vand.u32 $0xFFFFFFF0, v56  }
0x120: {  	v3 =	vor.u32 v3, v4  }
0x121: {  	v4 =	vperm.xlane v3, v0;
	_ =	sdelay $0x1  }
0x122: {  	v3 =	vperm.xlane v3, v2;
	v4 =	vadd.s32 v1, v4;
	_ =	sdelay $0x1  }
0x123: {  	v3 =	vadd.s32 v1, v3;
	_ =	sdelay $0x2  }
0x124: {  	[tilespmem:s0], [sflag:$0x2] =	stream.indirect_vreg.gather [hbm4b:s1+s3], $0x80, v4, vm0, $0xb8;
	[tilespmem:$0x10200] =	vst v63  }
0x125: {  	s14 =	simm.s32 $0x8A00  }
0x126: {  	[tilespmem:s14], [sflag:$0x2] =	stream.indirect_vreg.gather [hbm4b:s1+s3], $0x80, v3, vm0, $0xb8;
	[tilespmem:$0x10200] =	vst v63  }
0x127: {  	v3 =	vld [tilespmem:$0x190];
	_ =	sdelay $0x4  }
0x128: {  	v57 =	vshll.u32 v3, $0x1  }
0x129: {  	v3 =	vand.u32 $0x7, v3;
	v4 =	vand.u32 $0xFFFFFFF0, v57  }
0x12a: {  	v3 =	vor.u32 v3, v4  }
0x12b: {  	v4 =	vperm.xlane v3, v0;
	_ =	sdelay $0x1  }
0x12c: {  	v3 =	vperm.xlane v3, v2;
	v4 =	vadd.s32 v1, v4;
	_ =	sdelay $0x1  }
0x12d: {  	v3 =	vadd.s32 v1, v3;
	_ =	sdelay $0x2  }
0x12e: {  	[tilespmem:s22], [sflag:$0x2] =	stream.indirect_vreg.gather [hbm4b:s1+s3], $0x80, v4, vm0, $0xb8;
	[tilespmem:$0x10200] =	vst v63  }
0x12f: {  	_ = 	snop  }
0x130: {  	[tilespmem:s7], [sflag:$0x2] =	stream.indirect_vreg.gather [hbm4b:s1+s3], $0x80, v3, vm0, $0xb8;
	[tilespmem:$0x10200] =	vst v63  }
0x131: {  	v3 =	vld [tilespmem:$0x1A0];
	_ =	sdelay $0x4  }
0x132: {  	v58 =	vshll.u32 v3, $0x1  }
0x133: {  	v3 =	vand.u32 $0x7, v3;
	v4 =	vand.u32 $0xFFFFFFF0, v58  }
0x134: {  	v3 =	vor.u32 v3, v4  }
0x135: {  	v4 =	vperm.xlane v3, v0;
	_ =	sdelay $0x1  }
0x136: {  	v3 =	vperm.xlane v3, v2;
	v4 =	vadd.s32 v1, v4;
	_ =	sdelay $0x1  }
0x137: {  	v3 =	vadd.s32 v1, v3;
	_ =	sdelay $0x2  }
0x138: {  	[tilespmem:s8], [sflag:$0x2] =	stream.indirect_vreg.gather [hbm4b:s1+s3], $0x80, v4, vm0, $0xb8;
	[tilespmem:$0x10200] =	vst v63  }
0x139: {  	_ = 	snop  }
0x13a: {  	[tilespmem:s9], [sflag:$0x2] =	stream.indirect_vreg.gather [hbm4b:s1+s3], $0x80, v3, vm0, $0xb8;
	[tilespmem:$0x10200] =	vst v63  }
0x13b: {  	v3 =	vld [tilespmem:$0x1B0];
	_ =	sdelay $0x4  }
0x13c: {  	v59 =	vshll.u32 v3, $0x1  }
0x13d: {  	v3 =	vand.u32 $0x7, v3;
	v4 =	vand.u32 $0xFFFFFFF0, v59  }
0x13e: {  	v3 =	vor.u32 v3, v4  }
0x13f: {  	v4 =	vperm.xlane v3, v0;
	_ =	sdelay $0x1  }
0x140: {  	v3 =	vperm.xlane v3, v2;
	v4 =	vadd.s32 v1, v4;
	_ =	sdelay $0x1  }
0x141: {  	v3 =	vadd.s32 v1, v3;
	_ =	sdelay $0x2  }
0x142: {  	[tilespmem:s10], [sflag:$0x2] =	stream.indirect_vreg.gather [hbm4b:s1+s3], $0x80, v4, vm0, $0xb8;
	[tilespmem:$0x10200] =	vst v63  }
0x143: {  	_ = 	snop  }
0x144: {  	[tilespmem:s11], [sflag:$0x2] =	stream.indirect_vreg.gather [hbm4b:s1+s3], $0x80, v3, vm0, $0xb8;
	[tilespmem:$0x10200] =	vst v63  }
0x145: {  	v3 =	vld [tilespmem:$0x1C0];
	_ =	sdelay $0x4  }
0x146: {  	v60 =	vshll.u32 v3, $0x1  }
0x147: {  	v3 =	vand.u32 $0x7, v3;
	v4 =	vand.u32 $0xFFFFFFF0, v60  }
0x148: {  	v3 =	vor.u32 v3, v4  }
0x149: {  	v4 =	vperm.xlane v3, v0;
	_ =	sdelay $0x1  }
0x14a: {  	v3 =	vperm.xlane v3, v2;
	v4 =	vadd.s32 v1, v4;
	_ =	sdelay $0x1  }
0x14b: {  	v3 =	vadd.s32 v1, v3;
	_ =	sdelay $0x2  }
0x14c: {  	[tilespmem:s6], [sflag:$0x2] =	stream.indirect_vreg.gather [hbm4b:s1+s3], $0x80, v4, vm0, $0xb8;
	[tilespmem:$0x10200] =	vst v63  }
0x14d: {  	s14 =	simm.s32 $0xCA00  }
0x14e: {  	[tilespmem:s14], [sflag:$0x2] =	stream.indirect_vreg.gather [hbm4b:s1+s3], $0x80, v3, vm0, $0xb8;
	[tilespmem:$0x10200] =	vst v63  }
0x14f: {  	v3 =	vld [tilespmem:$0x1D0];
	_ =	sdelay $0x4  }
0x150: {  	v61 =	vshll.u32 v3, $0x1  }
0x151: {  	v3 =	vand.u32 $0x7, v3;
	v4 =	vand.u32 $0xFFFFFFF0, v61  }
0x152: {  	v3 =	vor.u32 v3, v4  }
0x153: {  	v4 =	vperm.xlane v3, v0;
	_ =	sdelay $0x1  }
0x154: {  	v3 =	vperm.xlane v3, v2;
	v4 =	vadd.s32 v1, v4;
	_ =	sdelay $0x1  }
0x155: {  	v3 =	vadd.s32 v1, v3;
	_ =	sdelay $0x1  }
0x156: {  	s12 =	simm.s32 $0xD200  }
0x157: {  	[tilespmem:s12], [sflag:$0x2] =	stream.indirect_vreg.gather [hbm4b:s1+s3], $0x80, v4, vm0, $0xb8;
	[tilespmem:$0x10200] =	vst v63  }
0x158: {  	s14 =	simm.s32 $0xDA00  }
0x159: {  	[tilespmem:s14], [sflag:$0x2] =	stream.indirect_vreg.gather [hbm4b:s1+s3], $0x80, v3, vm0, $0xb8;
	[tilespmem:$0x10200] =	vst v63  }
0x15a: {  	v3 =	vld [tilespmem:$0x1E0];
	_ =	sdelay $0x4  }
0x15b: {  	v62 =	vshll.u32 v3, $0x1  }
0x15c: {  	v3 =	vand.u32 $0x7, v3;
	v4 =	vand.u32 $0xFFFFFFF0, v62  }
0x15d: {  	v3 =	vor.u32 v3, v4  }
0x15e: {  	v4 =	vperm.xlane v3, v0;
	_ =	sdelay $0x1  }
0x15f: {  	v3 =	vperm.xlane v3, v2;
	v4 =	vadd.s32 v1, v4;
	_ =	sdelay $0x1  }
0x160: {  	v3 =	vadd.s32 v1, v3;
	_ =	sdelay $0x1  }
0x161: {  	s12 =	simm.s32 $0xE200  }
0x162: {  	[tilespmem:s12], [sflag:$0x2] =	stream.indirect_vreg.gather [hbm4b:s1+s3], $0x80, v4, vm0, $0xb8;
	[tilespmem:$0x10200] =	vst v63  }
0x163: {  	s14 =	simm.s32 $0xEA00  }
0x164: {  	[tilespmem:s14], [sflag:$0x2] =	stream.indirect_vreg.gather [hbm4b:s1+s3], $0x80, v3, vm0, $0xb8;
	[tilespmem:$0x10200] =	vst v63  }
0x165: {  	v3 =	vld [tilespmem:$0x1F0];
	_ =	sdelay $0x4  }
0x166: {  	v63 =	vshll.u32 v3, $0x1  }
0x167: {  	v3 =	vand.u32 $0x7, v3;
	v4 =	vand.u32 $0xFFFFFFF0, v63  }
0x168: {  	v3 =	vor.u32 v3, v4  }
0x169: {  	v4 =	vperm.xlane v3, v0;
	_ =	sdelay $0x1  }
0x16a: {  	v3 =	vperm.xlane v3, v2;
	v4 =	vadd.s32 v1, v4;
	_ =	sdelay $0x1  }
0x16b: {  	v3 =	vadd.s32 v1, v3;
	_ =	sdelay $0x1  }
0x16c: {  	s12 =	simm.s32 $0xF200  }
0x16d: {  	[tilespmem:s12], [sflag:$0x2] =	stream.indirect_vreg.gather [hbm4b:s1+s3], $0x80, v4, vm0, $0xb8;
	[tilespmem:$0x10200] =	vst v63  }
0x16e: {  	s14 =	simm.s32 $0xFA00  }
0x16f: {  	[tilespmem:s14], [sflag:$0x2] =	stream.indirect_vreg.gather [hbm4b:s1+s3], $0x80, v3, vm0, $0xb8;
	[tilespmem:$0x10200] =	vst v63  }
0x170: {  	_ =	swait.ge [sflag:s2], $0x8000  }
0x171: {  	[sflag:s2] =	ssyncset.done $0x0  }
0x172: {  	s12 =	simm.s32 $0x200;
	s6 =	rddreg [dreg:$0x7];
	[sflag:s2] =	ssyncadd.s32 $0xFFFF8000  }
0x173: {  	[hbm4b:s6+s3] =	stream.linear.scatter [tilespmem:s12], [sflag:$0x3], $0x8000, $0x38;
	[tilespmem:$0x10200] =	vst v63  }
0x174: {  	_ =	swait.ge [sflag:s5], $0x8000  }
0x175: {  	[sflag:s5] =	ssyncset.done $0x0  }
0x176: {  	[sflag:s5] =	ssyncadd.s32 $0xFFFF8000  }
0x177: {  	_ =	swait.ge [sflag:s13], $0x8000  }
0x178: {  	p0 =	sne.s32 s4, $0x1;
	[sflag:s13] =	ssyncset.done $0x0  }
.Ltmp0:
0x179: {  	s12 =	rddreg [dreg:$0x8];
	[sflag:s13] =	ssyncadd.s32 $0xFFFF8000;
	(pc) =	sbr.rel @p0 .LBB2_1-.Ltmp0, $4  }
0x17a: {  	[hbm4b:s12+s3] =	stream.linear.scatter [tilespmem:s0], [sflag:$0x3], $0x8000, $0x38;
	[tilespmem:$0x10200] =	vst v63  }
0x17b: {  	_ =	swait.ge [sflag:s5], $0x8000  }
0x17c: {  	[sflag:s5] =	ssyncset.done $0x0  }
0x17d: {  	s4 =	sadd.s32 $0xFFFFFFFF, s4;
	[sflag:s5] =	ssyncadd.s32 $0xFFFF8000  }
0x17e: {  	_ =	sfence.sel $0x180000  }
0x17f: {  	[bflag:$0x0] =	sbarrier.arrive $0xFFFF  }
0x180: {  	_ =	strace $0x90000047  }
0x181: {  	s0 =	stileid.u32;
	[bflag:$0x2] =	sbarrier.arrive $0xFFFF  }
0x182: {  	p0 =	sne.s32 s0, $0x0;
	s0 =	rddreg [dreg:$0x3]  }
0x183: {  	s0 =	sadd.s32 @!p0 $0x100000, s0  }
0x184: {  	[sflag:s0] =	ssyncadd.tile.s32 @!p0 $0x1;
	_ =	shalt  }
.Lfunc_end2:
_tile_overlayer_lowered:
.L_overlay_start_2:
0x185: {  	(tag) =	ssettag $0x2  }
0x186: {  	s0 =	rddreg [dreg:$0x0];
	s2 =	stileid.u32  }
0x187: {  	s1 =	rddreg [dreg:$0x1];
	p0 =	sne.s32 s2, $0x0  }
0x188: {  	s3 =	rddreg [dreg:$0x2];
	[bflag:$0x3] =	sbarrier.arrive $0xFFFF;
	s2 =	simm.s32 @!p0 $0x1C03  }
0x189: {  	[timem:s3], [sflag:s2] =	dma.local @!p0 [hbm:s0], s1  }
0x18a: {  	s0 =	simm.s32 @!p0 $0x3  }
0x18b: {  	_ =	swait.ge @!p0 [sflag:s0], s1  }
0x18c: {  	s1 =	ssub.s32 @!p0 $0x0, s1;
	[sflag:s0] =	ssyncset.done @!p0 $0x0  }
0x18d: {  	[sflag:s0] =	ssyncadd.s32 @!p0 s1  }
0x18e: {  	[bflag:$0x3] =	sbarrier.arrive $0xFFFF  }
0x18f: {  	_ =	shalt  }

</sc_bundles>
